<compile_context>
chip_gen: v7x
topology: tpu7x:2x2x1
jax: 0.10.2.dev20260603
libtpu: 0.0.44.dev20260713+nightly
codegen_flags: <defaults>
</compile_context>

<pallas_src>
import jax
import jax.numpy as jnp
from jax import lax
from jax.experimental import pallas as pl
from jax.experimental.pallas import tpu as pltpu
from jax.experimental.pallas import tpu_sc as plsc

_N = 320000
_D = 128
_S = 10000

_BN = 2000
_RPT = _N // 32
_SUB = 80
_NSUB = _RPT // _SUB
_SP = 10240
_SLICE = _SP // 16



def _weights_body(x_ref, w_ref, b_ref, y_ref, e_ref):
    xb = x_ref[...]
    logit = jnp.dot(xb, w_ref[...], preferred_element_type=jnp.float32)
    e = jnp.exp(logit + b_ref[0, 0])
    y_ref[...] = xb * e
    e_ref[...] = e


def _weights(x, W, b2):
    return pl.pallas_call(
        _weights_body,
        grid=(_N // _BN,),
        in_specs=[
            pl.BlockSpec((_BN, _D), lambda i: (i, 0)),
            pl.BlockSpec((_D, 1), lambda i: (0, 0)),
            pl.BlockSpec((1, 1), lambda i: (0, 0)),
        ],
        out_specs=[
            pl.BlockSpec((_BN, _D), lambda i: (i, 0)),
            pl.BlockSpec((_BN, 1), lambda i: (i, 0)),
        ],
        out_shape=[
            jax.ShapeDtypeStruct((_N, _D), jnp.float32),
            jax.ShapeDtypeStruct((_N, 1), jnp.float32),
        ],
    )(x, W, b2)



def _scatter_body(y_hbm, e_hbm, seg_hbm, numer_out, den_out,
                  nsh, dsh, ybuf, ybuf2, segbuf, segbuf2, ebuf, ebuf2, zv,
                  gs1, gs2, gs3, gt1, gt2, gt3, ss1, ss2, st1, st2):
    c = lax.axis_index("c")
    s = lax.axis_index("s")
    tile = c * 16 + s
    row0 = tile * _RPT

    z16 = jnp.zeros((16,), jnp.float32)

    def zy(i, _):
        for j in range(8):
            ybuf[i, pl.ds(16 * j, 16)] = z16
        return 0

    lax.fori_loop(0, _SUB, zy, 0)

    for q in range(_SLICE // 16):
        zv[pl.ds(16 * q, 16)] = z16

    base = pl.multiple_of(s * _SLICE, 8)
    for j in range(_SLICE // _SUB):
        pltpu.sync_copy(ybuf, nsh.at[pl.ds(base + _SUB * j, _SUB)])
    pltpu.sync_copy(zv, dsh.at[pl.ds(base, _SLICE)])
    plsc.subcore_barrier()

    bufs = ((segbuf, ebuf, ybuf, gs1, gs2, gs3, ss1, ss2),
            (segbuf2, ebuf2, ybuf2, gt1, gt2, gt3, st1, st2))

    def g_issue(r0, p):
        sb, eb, yb, a, b, d, _, _ = bufs[p]
        pltpu.async_copy(seg_hbm.at[pl.ds(r0, _SUB)], sb, a)
        pltpu.async_copy(e_hbm.at[pl.ds(r0, _SUB)], eb, b)
        pltpu.async_copy(y_hbm.at[pl.ds(r0, _SUB)], yb, d)

    def g_wait(p):
        sb, eb, yb, a, b, d, _, _ = bufs[p]
        pltpu.make_async_copy(seg_hbm.at[pl.ds(0, _SUB)], sb, a).wait()
        pltpu.make_async_copy(e_hbm.at[pl.ds(0, _SUB)], eb, b).wait()
        pltpu.make_async_copy(y_hbm.at[pl.ds(0, _SUB)], yb, d).wait()

    def s_issue(p):
        sb, eb, yb, _, _, _, u, v = bufs[p]
        pltpu.async_copy(yb, nsh.at[sb], u, add=True)
        pltpu.async_copy(eb, dsh.at[sb], v, add=True)

    def s_wait(p):
        sb, eb, yb, _, _, _, u, v = bufs[p]
        pltpu.make_async_copy(yb, nsh.at[sb], u).wait()
        pltpu.make_async_copy(eb, dsh.at[sb], v).wait()

    def rof(j):
        r = jnp.where(j < _NSUB, row0 + j * _SUB, row0)
        return pl.multiple_of(r, 8)

    g_issue(rof(0), 0)
    g_wait(0)
    s_issue(0)
    g_issue(rof(1), 1)

    def pair(t, _):
        for h in range(2):
            j = 2 * t + 1 + h
            p = 1 - h
            g_wait(p)
            s_issue(p)
            s_wait(1 - p)
            g_issue(rof(j + 1), 1 - p)
        return 0

    lax.fori_loop(0, (_NSUB - 1) // 2, pair, 0)
    s_wait(0)
    g_wait(1)
    plsc.subcore_barrier()

    baseL = pl.multiple_of(s * _SLICE, 128)
    pltpu.sync_copy(nsh.at[pl.ds(base, _SLICE)],
                    numer_out.at[c, pl.ds(base, _SLICE)])
    pltpu.sync_copy(dsh.at[pl.ds(base, _SLICE)],
                    den_out.at[c, 0, pl.ds(baseL, _SLICE)])


def _scatter(y, e1, seg1):
    mesh = plsc.VectorSubcoreMesh(core_axis_name="c", subcore_axis_name="s")
    f = pl.kernel(
        _scatter_body,
        out_type=(
            jax.ShapeDtypeStruct((2, _SP, _D), jnp.float32),
            jax.ShapeDtypeStruct((2, 1, _SP), jnp.float32),
        ),
        mesh=mesh,
        scratch_types=[
            pltpu.VMEM_SHARED((_SP, _D), jnp.float32),
            pltpu.VMEM_SHARED((_SP,), jnp.float32),
            pltpu.VMEM((_SUB, _D), jnp.float32),
            pltpu.VMEM((_SUB, _D), jnp.float32),
            pltpu.VMEM((_SUB,), jnp.int32),
            pltpu.VMEM((_SUB,), jnp.int32),
            pltpu.VMEM((_SUB,), jnp.float32),
            pltpu.VMEM((_SUB,), jnp.float32),
            pltpu.VMEM((_SLICE,), jnp.float32),
            pltpu.SemaphoreType.DMA,
            pltpu.SemaphoreType.DMA,
            pltpu.SemaphoreType.DMA,
            pltpu.SemaphoreType.DMA,
            pltpu.SemaphoreType.DMA,
            pltpu.SemaphoreType.DMA,
            pltpu.SemaphoreType.DMA,
            pltpu.SemaphoreType.DMA,
            pltpu.SemaphoreType.DMA,
            pltpu.SemaphoreType.DMA,
        ],
    )
    return f(y, e1, seg1)



_BS = 640


def _combine_body(n_ref, d_ref, o_ref):
    n = n_ref[0] + n_ref[1]
    d = (d_ref[0, 0] + d_ref[1, 0]).reshape(_BS, 1)
    o_ref[...] = jnp.where(d > 0.0, n / jnp.where(d > 0.0, d, 1.0), 0.0)


def _combine(numer, den):
    return pl.pallas_call(
        _combine_body,
        grid=(_SP // _BS,),
        in_specs=[
            pl.BlockSpec((2, _BS, _D), lambda i: (0, i, 0)),
            pl.BlockSpec((2, 1, _BS), lambda i: (0, 0, i)),
        ],
        out_specs=pl.BlockSpec((_BS, _D), lambda i: (i, 0)),
        out_shape=jax.ShapeDtypeStruct((_SP, _D), jnp.float32),
    )(numer, den)



def kernel(x, segment_ids, num_segments, W, b):
    y, e = _weights(x, W, b.reshape(1, 1))
    numer, den = _scatter(y, e[:, 0], segment_ids)
    return _combine(numer, den)[:_S]

# --- scband reference (transcript-rebuilt; emitter-appended) ---
"""Pipeline reference for scband-attention-pooling-21036749816019 (READ-ONLY COPY).

The authoritative reference and input builder live on the scoring server;
editing this copy changes nothing except your own understanding.
"""

import jax, jax.numpy as jnp
import numpy as np

N = 320000
D = 128
S = 10000


def setup_inputs(seed: int = 0) -> dict:
    key = jax.random.key(seed)
    k1, k2, k3 = jax.random.split(key, 3)
    x = jax.random.normal(k1, (N, D), dtype=jnp.float32)
    segment_ids = jnp.sort(jax.random.randint(k2, (N,), 0, S, dtype=jnp.int32))
    # Learned params of nn.Dense(1): kernel [D, 1], bias [1]
    W = jax.random.normal(k3, (D, 1), dtype=jnp.float32) * (1.0 / np.sqrt(D))
    b = jnp.zeros((1,), dtype=jnp.float32)
    return {"x": x, "segment_ids": segment_ids, "num_segments": S, "W": W, "b": b}


def _segment_softmax(logits, segment_ids, num_segments):
    # faithful to jraph.segment_softmax (stop_gradient on the per-segment max)
    maxs = jax.ops.segment_max(logits, segment_ids, num_segments)
    logits = logits - jax.lax.stop_gradient(maxs[segment_ids])
    logits = jnp.exp(logits)
    denom = jax.ops.segment_sum(logits, segment_ids, num_segments)
    return logits / denom[segment_ids]


def reference(x, segment_ids, num_segments, W, b):
    segment_ids = segment_ids + 0 * num_segments
    # nn.Dense(1)(x).squeeze(-1)
    logits = (x @ W + b).squeeze(-1)
    att = _segment_softmax(logits, segment_ids, S)
    # jnp.tile(att, (x.shape[1], 1)).transpose()
    att = jnp.tile(att, (x.shape[1], 1)).transpose()
    return jax.ops.segment_sum(x * att, segment_ids, S)

if __name__ == "__main__":
    import jax
    _d = setup_inputs()
    print(jax.jit(kernel)(*tuple(_d.values())))

</pallas_src>

<mosaic_0001>
#map = affine_map<(d0, d1) -> (0, 0)>
#map1 = affine_map<(d0, d1) -> (0)>
#map2 = affine_map<(d0, d1) -> (0, 0, 0)>
module attributes {stable_mosaic.version = 14 : i64} {
  func.func @_scatter_body(%arg0: i32, %arg1: i32, %arg2: memref<320000x128xf32, #tpu.memory_space<hbm>>, %arg3: memref<320000xf32, #tpu.memory_space<hbm>>, %arg4: memref<320000xi32, #tpu.memory_space<hbm>>, %arg5: memref<2x10240x128xf32, #tpu.memory_space<hbm>>, %arg6: memref<2x1x10240xf32, #tpu.memory_space<hbm>>, %arg7: memref<10240x128xf32, #tpu.memory_space<vmem_shared>>, %arg8: memref<10240xf32, #tpu.memory_space<vmem_shared>>, %arg9: memref<80x128xf32, #tpu.memory_space<vmem>>, %arg10: memref<80x128xf32, #tpu.memory_space<vmem>>, %arg11: memref<80xi32, #tpu.memory_space<vmem>>, %arg12: memref<80xi32, #tpu.memory_space<vmem>>, %arg13: memref<80xf32, #tpu.memory_space<vmem>>, %arg14: memref<80xf32, #tpu.memory_space<vmem>>, %arg15: memref<640xf32, #tpu.memory_space<vmem>>, %arg16: memref<!tpu.dma_semaphore, #tpu.memory_space<semaphore_mem>>, %arg17: memref<!tpu.dma_semaphore, #tpu.memory_space<semaphore_mem>>, %arg18: memref<!tpu.dma_semaphore, #tpu.memory_space<semaphore_mem>>, %arg19: memref<!tpu.dma_semaphore, #tpu.memory_space<semaphore_mem>>, %arg20: memref<!tpu.dma_semaphore, #tpu.memory_space<semaphore_mem>>, %arg21: memref<!tpu.dma_semaphore, #tpu.memory_space<semaphore_mem>>, %arg22: memref<!tpu.dma_semaphore, #tpu.memory_space<semaphore_mem>>, %arg23: memref<!tpu.dma_semaphore, #tpu.memory_space<semaphore_mem>>, %arg24: memref<!tpu.dma_semaphore, #tpu.memory_space<semaphore_mem>>, %arg25: memref<!tpu.dma_semaphore, #tpu.memory_space<semaphore_mem>>) attributes {dimension_semantics = [#tpu.dimension_semantics<core_parallel>, #tpu.dimension_semantics<subcore_parallel>], iteration_bounds = array<i64: 2, 16>, scalar_prefetch = 0 : i64, scratch_operands = 19 : i64, tpu.core_type = #tpu.core_type<sc_vector_subcore>, window_params = [{transform_indices = #map}, {transform_indices = #map1}, {transform_indices = #map1}, {transform_indices = #map2}, {transform_indices = #map2}]} {
    %mul3A = arith.constant 16 : i32
    %mul3A_0 = arith.muli %arg0, %mul3A : i32
    %add3A = arith.addi %mul3A_0, %arg1 : i32
    %mul3A_1 = arith.constant 10000 : i32
    %mul3A_2 = arith.muli %add3A, %mul3A_1 : i32
    %broadcast_in_dim3A = arith.constant 0.000000e+00 : f32
    %broadcast_in_dim3A_3 = vector.broadcast %broadcast_in_dim3A : f32 to vector<16xf32>
    %scan3A = arith.constant 0 : i32
    %scan3A_4 = arith.constant 0 : i32
    %scan3A_5 = arith.constant 80 : i32
    %scan3A_6 = arith.addi %scan3A_4, %scan3A_5 : i32
    %scan3A_7 = arith.constant 1 : i32
    %scan3A_8 = scf.for %scan3A_258 = %scan3A_4 to %scan3A_6 step %scan3A_7 iter_args(%scan3A_259 = %scan3A) -> (i32)  : i32 {
      %swap3A_260 = arith.index_cast %scan3A_258 : i32 to index
      %swap3A_261 = arith.constant 0 : index
      %swap3A_262 = tpu.vector_load %arg9[%swap3A_260, %swap3A_261] {strides = array<i32>} : memref<80x128xf32, #tpu.memory_space<vmem>>, vector<1x16xf32>,
      %swap3A_263 = vector.shape_cast %swap3A_262 : vector<1x16xf32> to vector<16xf32>
      %swap3A_264 = vector.shape_cast %broadcast_in_dim3A_3 : vector<16xf32> to vector<1x16xf32>
      tpu.vector_store %arg9[%swap3A_260, %swap3A_261], %swap3A_264 {strides = array<i32>} : memref<80x128xf32, #tpu.memory_space<vmem>>, vector<1x16xf32>,
      %swap3A_265 = arith.index_cast %scan3A_258 : i32 to index
      %swap3A_266 = arith.constant 16 : index
      %swap3A_267 = tpu.vector_load %arg9[%swap3A_265, %swap3A_266] {strides = array<i32>} : memref<80x128xf32, #tpu.memory_space<vmem>>, vector<1x16xf32>,
      %swap3A_268 = vector.shape_cast %swap3A_267 : vector<1x16xf32> to vector<16xf32>
      %swap3A_269 = vector.shape_cast %broadcast_in_dim3A_3 : vector<16xf32> to vector<1x16xf32>
      tpu.vector_store %arg9[%swap3A_265, %swap3A_266], %swap3A_269 {strides = array<i32>} : memref<80x128xf32, #tpu.memory_space<vmem>>, vector<1x16xf32>,
      %swap3A_270 = arith.index_cast %scan3A_258 : i32 to index
      %swap3A_271 = arith.constant 32 : index
      %swap3A_272 = tpu.vector_load %arg9[%swap3A_270, %swap3A_271] {strides = array<i32>} : memref<80x128xf32, #tpu.memory_space<vmem>>, vector<1x16xf32>,
      %swap3A_273 = vector.shape_cast %swap3A_272 : vector<1x16xf32> to vector<16xf32>
      %swap3A_274 = vector.shape_cast %broadcast_in_dim3A_3 : vector<16xf32> to vector<1x16xf32>
      tpu.vector_store %arg9[%swap3A_270, %swap3A_271], %swap3A_274 {strides = array<i32>} : memref<80x128xf32, #tpu.memory_space<vmem>>, vector<1x16xf32>,
      %swap3A_275 = arith.index_cast %scan3A_258 : i32 to index
      %swap3A_276 = arith.constant 48 : index
      %swap3A_277 = tpu.vector_load %arg9[%swap3A_275, %swap3A_276] {strides = array<i32>} : memref<80x128xf32, #tpu.memory_space<vmem>>, vector<1x16xf32>,
      %swap3A_278 = vector.shape_cast %swap3A_277 : vector<1x16xf32> to vector<16xf32>
      %swap3A_279 = vector.shape_cast %broadcast_in_dim3A_3 : vector<16xf32> to vector<1x16xf32>
      tpu.vector_store %arg9[%swap3A_275, %swap3A_276], %swap3A_279 {strides = array<i32>} : memref<80x128xf32, #tpu.memory_space<vmem>>, vector<1x16xf32>,
      %swap3A_280 = arith.index_cast %scan3A_258 : i32 to index
      %swap3A_281 = arith.constant 64 : index
      %swap3A_282 = tpu.vector_load %arg9[%swap3A_280, %swap3A_281] {strides = array<i32>} : memref<80x128xf32, #tpu.memory_space<vmem>>, vector<1x16xf32>,
      %swap3A_283 = vector.shape_cast %swap3A_282 : vector<1x16xf32> to vector<16xf32>
      %swap3A_284 = vector.shape_cast %broadcast_in_dim3A_3 : vector<16xf32> to vector<1x16xf32>
      tpu.vector_store %arg9[%swap3A_280, %swap3A_281], %swap3A_284 {strides = array<i32>} : memref<80x128xf32, #tpu.memory_space<vmem>>, vector<1x16xf32>,
      %swap3A_285 = arith.index_cast %scan3A_258 : i32 to index
      %swap3A_286 = arith.constant 80 : index
      %swap3A_287 = tpu.vector_load %arg9[%swap3A_285, %swap3A_286] {strides = array<i32>} : memref<80x128xf32, #tpu.memory_space<vmem>>, vector<1x16xf32>,
      %swap3A_288 = vector.shape_cast %swap3A_287 : vector<1x16xf32> to vector<16xf32>
      %swap3A_289 = vector.shape_cast %broadcast_in_dim3A_3 : vector<16xf32> to vector<1x16xf32>
      tpu.vector_store %arg9[%swap3A_285, %swap3A_286], %swap3A_289 {strides = array<i32>} : memref<80x128xf32, #tpu.memory_space<vmem>>, vector<1x16xf32>,
      %swap3A_290 = arith.index_cast %scan3A_258 : i32 to index
      %swap3A_291 = arith.constant 96 : index
      %swap3A_292 = tpu.vector_load %arg9[%swap3A_290, %swap3A_291] {strides = array<i32>} : memref<80x128xf32, #tpu.memory_space<vmem>>, vector<1x16xf32>,
      %swap3A_293 = vector.shape_cast %swap3A_292 : vector<1x16xf32> to vector<16xf32>
      %swap3A_294 = vector.shape_cast %broadcast_in_dim3A_3 : vector<16xf32> to vector<1x16xf32>
      tpu.vector_store %arg9[%swap3A_290, %swap3A_291], %swap3A_294 {strides = array<i32>} : memref<80x128xf32, #tpu.memory_space<vmem>>, vector<1x16xf32>,
      %swap3A_295 = arith.index_cast %scan3A_258 : i32 to index
      %swap3A_296 = arith.constant 112 : index
      %swap3A_297 = tpu.vector_load %arg9[%swap3A_295, %swap3A_296] {strides = array<i32>} : memref<80x128xf32, #tpu.memory_space<vmem>>, vector<1x16xf32>,
      %swap3A_298 = vector.shape_cast %swap3A_297 : vector<1x16xf32> to vector<16xf32>
      %swap3A_299 = vector.shape_cast %broadcast_in_dim3A_3 : vector<16xf32> to vector<1x16xf32>
      tpu.vector_store %arg9[%swap3A_295, %swap3A_296], %swap3A_299 {strides = array<i32>} : memref<80x128xf32, #tpu.memory_space<vmem>>, vector<1x16xf32>,
      %scan3A_300 = arith.constant 0 : i32
      scf.yield %scan3A_300 : i32
    }
    %scan3A_9 = arith.constant 80 : i32
    %swap3A = arith.constant 0 : index
    %swap3A_10 = tpu.vector_load %arg15[%swap3A] {strides = array<i32>} : memref<640xf32, #tpu.memory_space<vmem>>, vector<16xf32>,
    %swap3A_11 = vector.shape_cast %swap3A_10 : vector<16xf32> to vector<16xf32>
    %swap3A_12 = vector.shape_cast %broadcast_in_dim3A_3 : vector<16xf32> to vector<16xf32>
    tpu.vector_store %arg15[%swap3A], %swap3A_12 {strides = array<i32>} : memref<640xf32, #tpu.memory_space<vmem>>, vector<16xf32>,
    %swap3A_13 = arith.constant 16 : index
    %swap3A_14 = tpu.vector_load %arg15[%swap3A_13] {strides = array<i32>} : memref<640xf32, #tpu.memory_space<vmem>>, vector<16xf32>,
    %swap3A_15 = vector.shape_cast %swap3A_14 : vector<16xf32> to vector<16xf32>
    %swap3A_16 = vector.shape_cast %broadcast_in_dim3A_3 : vector<16xf32> to vector<16xf32>
    tpu.vector_store %arg15[%swap3A_13], %swap3A_16 {strides = array<i32>} : memref<640xf32, #tpu.memory_space<vmem>>, vector<16xf32>,
    %swap3A_17 = arith.constant 32 : index
    %swap3A_18 = tpu.vector_load %arg15[%swap3A_17] {strides = array<i32>} : memref<640xf32, #tpu.memory_space<vmem>>, vector<16xf32>,
    %swap3A_19 = vector.shape_cast %swap3A_18 : vector<16xf32> to vector<16xf32>
    %swap3A_20 = vector.shape_cast %broadcast_in_dim3A_3 : vector<16xf32> to vector<16xf32>
    tpu.vector_store %arg15[%swap3A_17], %swap3A_20 {strides = array<i32>} : memref<640xf32, #tpu.memory_space<vmem>>, vector<16xf32>,
    %swap3A_21 = arith.constant 48 : index
    %swap3A_22 = tpu.vector_load %arg15[%swap3A_21] {strides = array<i32>} : memref<640xf32, #tpu.memory_space<vmem>>, vector<16xf32>,
    %swap3A_23 = vector.shape_cast %swap3A_22 : vector<16xf32> to vector<16xf32>
    %swap3A_24 = vector.shape_cast %broadcast_in_dim3A_3 : vector<16xf32> to vector<16xf32>
    tpu.vector_store %arg15[%swap3A_21], %swap3A_24 {strides = array<i32>} : memref<640xf32, #tpu.memory_space<vmem>>, vector<16xf32>,
    %swap3A_25 = arith.constant 64 : index
    %swap3A_26 = tpu.vector_load %arg15[%swap3A_25] {strides = array<i32>} : memref<640xf32, #tpu.memory_space<vmem>>, vector<16xf32>,
    %swap3A_27 = vector.shape_cast %swap3A_26 : vector<16xf32> to vector<16xf32>
    %swap3A_28 = vector.shape_cast %broadcast_in_dim3A_3 : vector<16xf32> to vector<16xf32>
    tpu.vector_store %arg15[%swap3A_25], %swap3A_28 {strides = array<i32>} : memref<640xf32, #tpu.memory_space<vmem>>, vector<16xf32>,
    %swap3A_29 = arith.constant 80 : index
    %swap3A_30 = tpu.vector_load %arg15[%swap3A_29] {strides = array<i32>} : memref<640xf32, #tpu.memory_space<vmem>>, vector<16xf32>,
    %swap3A_31 = vector.shape_cast %swap3A_30 : vector<16xf32> to vector<16xf32>
    %swap3A_32 = vector.shape_cast %broadcast_in_dim3A_3 : vector<16xf32> to vector<16xf32>
    tpu.vector_store %arg15[%swap3A_29], %swap3A_32 {strides = array<i32>} : memref<640xf32, #tpu.memory_space<vmem>>, vector<16xf32>,
    %swap3A_33 = arith.constant 96 : index
    %swap3A_34 = tpu.vector_load %arg15[%swap3A_33] {strides = array<i32>} : memref<640xf32, #tpu.memory_space<vmem>>, vector<16xf32>,
    %swap3A_35 = vector.shape_cast %swap3A_34 : vector<16xf32> to vector<16xf32>
    %swap3A_36 = vector.shape_cast %broadcast_in_dim3A_3 : vector<16xf32> to vector<16xf32>
    tpu.vector_store %arg15[%swap3A_33], %swap3A_36 {strides = array<i32>} : memref<640xf32, #tpu.memory_space<vmem>>, vector<16xf32>,
    %swap3A_37 = arith.constant 112 : index
    %swap3A_38 = tpu.vector_load %arg15[%swap3A_37] {strides = array<i32>} : memref<640xf32, #tpu.memory_space<vmem>>, vector<16xf32>,
    %swap3A_39 = vector.shape_cast %swap3A_38 : vector<16xf32> to vector<16xf32>
    %swap3A_40 = vector.shape_cast %broadcast_in_dim3A_3 : vector<16xf32> to vector<16xf32>
    tpu.vector_store %arg15[%swap3A_37], %swap3A_40 {strides = array<i32>} : memref<640xf32, #tpu.memory_space<vmem>>, vector<16xf32>,
    %swap3A_41 = arith.constant 128 : index
    %swap3A_42 = tpu.vector_load %arg15[%swap3A_41] {strides = array<i32>} : memref<640xf32, #tpu.memory_space<vmem>>, vector<16xf32>,
    %swap3A_43 = vector.shape_cast %swap3A_42 : vector<16xf32> to vector<16xf32>
    %swap3A_44 = vector.shape_cast %broadcast_in_dim3A_3 : vector<16xf32> to vector<16xf32>
    tpu.vector_store %arg15[%swap3A_41], %swap3A_44 {strides = array<i32>} : memref<640xf32, #tpu.memory_space<vmem>>, vector<16xf32>,
    %swap3A_45 = arith.constant 144 : index
    %swap3A_46 = tpu.vector_load %arg15[%swap3A_45] {strides = array<i32>} : memref<640xf32, #tpu.memory_space<vmem>>, vector<16xf32>,
    %swap3A_47 = vector.shape_cast %swap3A_46 : vector<16xf32> to vector<16xf32>
    %swap3A_48 = vector.shape_cast %broadcast_in_dim3A_3 : vector<16xf32> to vector<16xf32>
    tpu.vector_store %arg15[%swap3A_45], %swap3A_48 {strides = array<i32>} : memref<640xf32, #tpu.memory_space<vmem>>, vector<16xf32>,
    %swap3A_49 = arith.constant 160 : index
    %swap3A_50 = tpu.vector_load %arg15[%swap3A_49] {strides = array<i32>} : memref<640xf32, #tpu.memory_space<vmem>>, vector<16xf32>,
    %swap3A_51 = vector.shape_cast %swap3A_50 : vector<16xf32> to vector<16xf32>
    %swap3A_52 = vector.shape_cast %broadcast_in_dim3A_3 : vector<16xf32> to vector<16xf32>
    tpu.vector_store %arg15[%swap3A_49], %swap3A_52 {strides = array<i32>} : memref<640xf32, #tpu.memory_space<vmem>>, vector<16xf32>,
    %swap3A_53 = arith.constant 176 : index
    %swap3A_54 = tpu.vector_load %arg15[%swap3A_53] {strides = array<i32>} : memref<640xf32, #tpu.memory_space<vmem>>, vector<16xf32>,
    %swap3A_55 = vector.shape_cast %swap3A_54 : vector<16xf32> to vector<16xf32>
    %swap3A_56 = vector.shape_cast %broadcast_in_dim3A_3 : vector<16xf32> to vector<16xf32>
    tpu.vector_store %arg15[%swap3A_53], %swap3A_56 {strides = array<i32>} : memref<640xf32, #tpu.memory_space<vmem>>, vector<16xf32>,
    %swap3A_57 = arith.constant 192 : index
    %swap3A_58 = tpu.vector_load %arg15[%swap3A_57] {strides = array<i32>} : memref<640xf32, #tpu.memory_space<vmem>>, vector<16xf32>,
    %swap3A_59 = vector.shape_cast %swap3A_58 : vector<16xf32> to vector<16xf32>
    %swap3A_60 = vector.shape_cast %broadcast_in_dim3A_3 : vector<16xf32> to vector<16xf32>
    tpu.vector_store %arg15[%swap3A_57], %swap3A_60 {strides = array<i32>} : memref<640xf32, #tpu.memory_space<vmem>>, vector<16xf32>,
    %swap3A_61 = arith.constant 208 : index
    %swap3A_62 = tpu.vector_load %arg15[%swap3A_61] {strides = array<i32>} : memref<640xf32, #tpu.memory_space<vmem>>, vector<16xf32>,
    %swap3A_63 = vector.shape_cast %swap3A_62 : vector<16xf32> to vector<16xf32>
    %swap3A_64 = vector.shape_cast %broadcast_in_dim3A_3 : vector<16xf32> to vector<16xf32>
    tpu.vector_store %arg15[%swap3A_61], %swap3A_64 {strides = array<i32>} : memref<640xf32, #tpu.memory_space<vmem>>, vector<16xf32>,
    %swap3A_65 = arith.constant 224 : index
    %swap3A_66 = tpu.vector_load %arg15[%swap3A_65] {strides = array<i32>} : memref<640xf32, #tpu.memory_space<vmem>>, vector<16xf32>,
    %swap3A_67 = vector.shape_cast %swap3A_66 : vector<16xf32> to vector<16xf32>
    %swap3A_68 = vector.shape_cast %broadcast_in_dim3A_3 : vector<16xf32> to vector<16xf32>
    tpu.vector_store %arg15[%swap3A_65], %swap3A_68 {strides = array<i32>} : memref<640xf32, #tpu.memory_space<vmem>>, vector<16xf32>,
    %swap3A_69 = arith.constant 240 : index
    %swap3A_70 = tpu.vector_load %arg15[%swap3A_69] {strides = array<i32>} : memref<640xf32, #tpu.memory_space<vmem>>, vector<16xf32>,
    %swap3A_71 = vector.shape_cast %swap3A_70 : vector<16xf32> to vector<16xf32>
    %swap3A_72 = vector.shape_cast %broadcast_in_dim3A_3 : vector<16xf32> to vector<16xf32>
    tpu.vector_store %arg15[%swap3A_69], %swap3A_72 {strides = array<i32>} : memref<640xf32, #tpu.memory_space<vmem>>, vector<16xf32>,
    %swap3A_73 = arith.constant 256 : index
    %swap3A_74 = tpu.vector_load %arg15[%swap3A_73] {strides = array<i32>} : memref<640xf32, #tpu.memory_space<vmem>>, vector<16xf32>,
    %swap3A_75 = vector.shape_cast %swap3A_74 : vector<16xf32> to vector<16xf32>
    %swap3A_76 = vector.shape_cast %broadcast_in_dim3A_3 : vector<16xf32> to vector<16xf32>
    tpu.vector_store %arg15[%swap3A_73], %swap3A_76 {strides = array<i32>} : memref<640xf32, #tpu.memory_space<vmem>>, vector<16xf32>,
    %swap3A_77 = arith.constant 272 : index
    %swap3A_78 = tpu.vector_load %arg15[%swap3A_77] {strides = array<i32>} : memref<640xf32, #tpu.memory_space<vmem>>, vector<16xf32>,
    %swap3A_79 = vector.shape_cast %swap3A_78 : vector<16xf32> to vector<16xf32>
    %swap3A_80 = vector.shape_cast %broadcast_in_dim3A_3 : vector<16xf32> to vector<16xf32>
    tpu.vector_store %arg15[%swap3A_77], %swap3A_80 {strides = array<i32>} : memref<640xf32, #tpu.memory_space<vmem>>, vector<16xf32>,
    %swap3A_81 = arith.constant 288 : index
    %swap3A_82 = tpu.vector_load %arg15[%swap3A_81] {strides = array<i32>} : memref<640xf32, #tpu.memory_space<vmem>>, vector<16xf32>,
    %swap3A_83 = vector.shape_cast %swap3A_82 : vector<16xf32> to vector<16xf32>
    %swap3A_84 = vector.shape_cast %broadcast_in_dim3A_3 : vector<16xf32> to vector<16xf32>
    tpu.vector_store %arg15[%swap3A_81], %swap3A_84 {strides = array<i32>} : memref<640xf32, #tpu.memory_space<vmem>>, vector<16xf32>,
    %swap3A_85 = arith.constant 304 : index
    %swap3A_86 = tpu.vector_load %arg15[%swap3A_85] {strides = array<i32>} : memref<640xf32, #tpu.memory_space<vmem>>, vector<16xf32>,
    %swap3A_87 = vector.shape_cast %swap3A_86 : vector<16xf32> to vector<16xf32>
    %swap3A_88 = vector.shape_cast %broadcast_in_dim3A_3 : vector<16xf32> to vector<16xf32>
    tpu.vector_store %arg15[%swap3A_85], %swap3A_88 {strides = array<i32>} : memref<640xf32, #tpu.memory_space<vmem>>, vector<16xf32>,
    %swap3A_89 = arith.constant 320 : index
    %swap3A_90 = tpu.vector_load %arg15[%swap3A_89] {strides = array<i32>} : memref<640xf32, #tpu.memory_space<vmem>>, vector<16xf32>,
    %swap3A_91 = vector.shape_cast %swap3A_90 : vector<16xf32> to vector<16xf32>
    %swap3A_92 = vector.shape_cast %broadcast_in_dim3A_3 : vector<16xf32> to vector<16xf32>
    tpu.vector_store %arg15[%swap3A_89], %swap3A_92 {strides = array<i32>} : memref<640xf32, #tpu.memory_space<vmem>>, vector<16xf32>,
    %swap3A_93 = arith.constant 336 : index
    %swap3A_94 = tpu.vector_load %arg15[%swap3A_93] {strides = array<i32>} : memref<640xf32, #tpu.memory_space<vmem>>, vector<16xf32>,
    %swap3A_95 = vector.shape_cast %swap3A_94 : vector<16xf32> to vector<16xf32>
    %swap3A_96 = vector.shape_cast %broadcast_in_dim3A_3 : vector<16xf32> to vector<16xf32>
    tpu.vector_store %arg15[%swap3A_93], %swap3A_96 {strides = array<i32>} : memref<640xf32, #tpu.memory_space<vmem>>, vector<16xf32>,
    %swap3A_97 = arith.constant 352 : index
    %swap3A_98 = tpu.vector_load %arg15[%swap3A_97] {strides = array<i32>} : memref<640xf32, #tpu.memory_space<vmem>>, vector<16xf32>,
    %swap3A_99 = vector.shape_cast %swap3A_98 : vector<16xf32> to vector<16xf32>
    %swap3A_100 = vector.shape_cast %broadcast_in_dim3A_3 : vector<16xf32> to vector<16xf32>
    tpu.vector_store %arg15[%swap3A_97], %swap3A_100 {strides = array<i32>} : memref<640xf32, #tpu.memory_space<vmem>>, vector<16xf32>,
    %swap3A_101 = arith.constant 368 : index
    %swap3A_102 = tpu.vector_load %arg15[%swap3A_101] {strides = array<i32>} : memref<640xf32, #tpu.memory_space<vmem>>, vector<16xf32>,
    %swap3A_103 = vector.shape_cast %swap3A_102 : vector<16xf32> to vector<16xf32>
    %swap3A_104 = vector.shape_cast %broadcast_in_dim3A_3 : vector<16xf32> to vector<16xf32>
    tpu.vector_store %arg15[%swap3A_101], %swap3A_104 {strides = array<i32>} : memref<640xf32, #tpu.memory_space<vmem>>, vector<16xf32>,
    %swap3A_105 = arith.constant 384 : index
    %swap3A_106 = tpu.vector_load %arg15[%swap3A_105] {strides = array<i32>} : memref<640xf32, #tpu.memory_space<vmem>>, vector<16xf32>,
    %swap3A_107 = vector.shape_cast %swap3A_106 : vector<16xf32> to vector<16xf32>
    %swap3A_108 = vector.shape_cast %broadcast_in_dim3A_3 : vector<16xf32> to vector<16xf32>
    tpu.vector_store %arg15[%swap3A_105], %swap3A_108 {strides = array<i32>} : memref<640xf32, #tpu.memory_space<vmem>>, vector<16xf32>,
    %swap3A_109 = arith.constant 400 : index
    %swap3A_110 = tpu.vector_load %arg15[%swap3A_109] {strides = array<i32>} : memref<640xf32, #tpu.memory_space<vmem>>, vector<16xf32>,
    %swap3A_111 = vector.shape_cast %swap3A_110 : vector<16xf32> to vector<16xf32>
    %swap3A_112 = vector.shape_cast %broadcast_in_dim3A_3 : vector<16xf32> to vector<16xf32>
    tpu.vector_store %arg15[%swap3A_109], %swap3A_112 {strides = array<i32>} : memref<640xf32, #tpu.memory_space<vmem>>, vector<16xf32>,
    %swap3A_113 = arith.constant 416 : index
    %swap3A_114 = tpu.vector_load %arg15[%swap3A_113] {strides = array<i32>} : memref<640xf32, #tpu.memory_space<vmem>>, vector<16xf32>,
    %swap3A_115 = vector.shape_cast %swap3A_114 : vector<16xf32> to vector<16xf32>
    %swap3A_116 = vector.shape_cast %broadcast_in_dim3A_3 : vector<16xf32> to vector<16xf32>
    tpu.vector_store %arg15[%swap3A_113], %swap3A_116 {strides = array<i32>} : memref<640xf32, #tpu.memory_space<vmem>>, vector<16xf32>,
    %swap3A_117 = arith.constant 432 : index
    %swap3A_118 = tpu.vector_load %arg15[%swap3A_117] {strides = array<i32>} : memref<640xf32, #tpu.memory_space<vmem>>, vector<16xf32>,
    %swap3A_119 = vector.shape_cast %swap3A_118 : vector<16xf32> to vector<16xf32>
    %swap3A_120 = vector.shape_cast %broadcast_in_dim3A_3 : vector<16xf32> to vector<16xf32>
    tpu.vector_store %arg15[%swap3A_117], %swap3A_120 {strides = array<i32>} : memref<640xf32, #tpu.memory_space<vmem>>, vector<16xf32>,
    %swap3A_121 = arith.constant 448 : index
    %swap3A_122 = tpu.vector_load %arg15[%swap3A_121] {strides = array<i32>} : memref<640xf32, #tpu.memory_space<vmem>>, vector<16xf32>,
    %swap3A_123 = vector.shape_cast %swap3A_122 : vector<16xf32> to vector<16xf32>
    %swap3A_124 = vector.shape_cast %broadcast_in_dim3A_3 : vector<16xf32> to vector<16xf32>
    tpu.vector_store %arg15[%swap3A_121], %swap3A_124 {strides = array<i32>} : memref<640xf32, #tpu.memory_space<vmem>>, vector<16xf32>,
    %swap3A_125 = arith.constant 464 : index
    %swap3A_126 = tpu.vector_load %arg15[%swap3A_125] {strides = array<i32>} : memref<640xf32, #tpu.memory_space<vmem>>, vector<16xf32>,
    %swap3A_127 = vector.shape_cast %swap3A_126 : vector<16xf32> to vector<16xf32>
    %swap3A_128 = vector.shape_cast %broadcast_in_dim3A_3 : vector<16xf32> to vector<16xf32>
    tpu.vector_store %arg15[%swap3A_125], %swap3A_128 {strides = array<i32>} : memref<640xf32, #tpu.memory_space<vmem>>, vector<16xf32>,
    %swap3A_129 = arith.constant 480 : index
    %swap3A_130 = tpu.vector_load %arg15[%swap3A_129] {strides = array<i32>} : memref<640xf32, #tpu.memory_space<vmem>>, vector<16xf32>,
    %swap3A_131 = vector.shape_cast %swap3A_130 : vector<16xf32> to vector<16xf32>
    %swap3A_132 = vector.shape_cast %broadcast_in_dim3A_3 : vector<16xf32> to vector<16xf32>
    tpu.vector_store %arg15[%swap3A_129], %swap3A_132 {strides = array<i32>} : memref<640xf32, #tpu.memory_space<vmem>>, vector<16xf32>,
    %swap3A_133 = arith.constant 496 : index
    %swap3A_134 = tpu.vector_load %arg15[%swap3A_133] {strides = array<i32>} : memref<640xf32, #tpu.memory_space<vmem>>, vector<16xf32>,
    %swap3A_135 = vector.shape_cast %swap3A_134 : vector<16xf32> to vector<16xf32>
    %swap3A_136 = vector.shape_cast %broadcast_in_dim3A_3 : vector<16xf32> to vector<16xf32>
    tpu.vector_store %arg15[%swap3A_133], %swap3A_136 {strides = array<i32>} : memref<640xf32, #tpu.memory_space<vmem>>, vector<16xf32>,
    %swap3A_137 = arith.constant 512 : index
    %swap3A_138 = tpu.vector_load %arg15[%swap3A_137] {strides = array<i32>} : memref<640xf32, #tpu.memory_space<vmem>>, vector<16xf32>,
    %swap3A_139 = vector.shape_cast %swap3A_138 : vector<16xf32> to vector<16xf32>
    %swap3A_140 = vector.shape_cast %broadcast_in_dim3A_3 : vector<16xf32> to vector<16xf32>
    tpu.vector_store %arg15[%swap3A_137], %swap3A_140 {strides = array<i32>} : memref<640xf32, #tpu.memory_space<vmem>>, vector<16xf32>,
    %swap3A_141 = arith.constant 528 : index
    %swap3A_142 = tpu.vector_load %arg15[%swap3A_141] {strides = array<i32>} : memref<640xf32, #tpu.memory_space<vmem>>, vector<16xf32>,
    %swap3A_143 = vector.shape_cast %swap3A_142 : vector<16xf32> to vector<16xf32>
    %swap3A_144 = vector.shape_cast %broadcast_in_dim3A_3 : vector<16xf32> to vector<16xf32>
    tpu.vector_store %arg15[%swap3A_141], %swap3A_144 {strides = array<i32>} : memref<640xf32, #tpu.memory_space<vmem>>, vector<16xf32>,
    %swap3A_145 = arith.constant 544 : index
    %swap3A_146 = tpu.vector_load %arg15[%swap3A_145] {strides = array<i32>} : memref<640xf32, #tpu.memory_space<vmem>>, vector<16xf32>,
    %swap3A_147 = vector.shape_cast %swap3A_146 : vector<16xf32> to vector<16xf32>
    %swap3A_148 = vector.shape_cast %broadcast_in_dim3A_3 : vector<16xf32> to vector<16xf32>
    tpu.vector_store %arg15[%swap3A_145], %swap3A_148 {strides = array<i32>} : memref<640xf32, #tpu.memory_space<vmem>>, vector<16xf32>,
    %swap3A_149 = arith.constant 560 : index
    %swap3A_150 = tpu.vector_load %arg15[%swap3A_149] {strides = array<i32>} : memref<640xf32, #tpu.memory_space<vmem>>, vector<16xf32>,
    %swap3A_151 = vector.shape_cast %swap3A_150 : vector<16xf32> to vector<16xf32>
    %swap3A_152 = vector.shape_cast %broadcast_in_dim3A_3 : vector<16xf32> to vector<16xf32>
    tpu.vector_store %arg15[%swap3A_149], %swap3A_152 {strides = array<i32>} : memref<640xf32, #tpu.memory_space<vmem>>, vector<16xf32>,
    %swap3A_153 = arith.constant 576 : index
    %swap3A_154 = tpu.vector_load %arg15[%swap3A_153] {strides = array<i32>} : memref<640xf32, #tpu.memory_space<vmem>>, vector<16xf32>,
    %swap3A_155 = vector.shape_cast %swap3A_154 : vector<16xf32> to vector<16xf32>
    %swap3A_156 = vector.shape_cast %broadcast_in_dim3A_3 : vector<16xf32> to vector<16xf32>
    tpu.vector_store %arg15[%swap3A_153], %swap3A_156 {strides = array<i32>} : memref<640xf32, #tpu.memory_space<vmem>>, vector<16xf32>,
    %swap3A_157 = arith.constant 592 : index
    %swap3A_158 = tpu.vector_load %arg15[%swap3A_157] {strides = array<i32>} : memref<640xf32, #tpu.memory_space<vmem>>, vector<16xf32>,
    %swap3A_159 = vector.shape_cast %swap3A_158 : vector<16xf32> to vector<16xf32>
    %swap3A_160 = vector.shape_cast %broadcast_in_dim3A_3 : vector<16xf32> to vector<16xf32>
    tpu.vector_store %arg15[%swap3A_157], %swap3A_160 {strides = array<i32>} : memref<640xf32, #tpu.memory_space<vmem>>, vector<16xf32>,
    %swap3A_161 = arith.constant 608 : index
    %swap3A_162 = tpu.vector_load %arg15[%swap3A_161] {strides = array<i32>} : memref<640xf32, #tpu.memory_space<vmem>>, vector<16xf32>,
    %swap3A_163 = vector.shape_cast %swap3A_162 : vector<16xf32> to vector<16xf32>
    %swap3A_164 = vector.shape_cast %broadcast_in_dim3A_3 : vector<16xf32> to vector<16xf32>
    tpu.vector_store %arg15[%swap3A_161], %swap3A_164 {strides = array<i32>} : memref<640xf32, #tpu.memory_space<vmem>>, vector<16xf32>,
    %swap3A_165 = arith.constant 624 : index
    %swap3A_166 = tpu.vector_load %arg15[%swap3A_165] {strides = array<i32>} : memref<640xf32, #tpu.memory_space<vmem>>, vector<16xf32>,
    %swap3A_167 = vector.shape_cast %swap3A_166 : vector<16xf32> to vector<16xf32>
    %swap3A_168 = vector.shape_cast %broadcast_in_dim3A_3 : vector<16xf32> to vector<16xf32>
    tpu.vector_store %arg15[%swap3A_165], %swap3A_168 {strides = array<i32>} : memref<640xf32, #tpu.memory_space<vmem>>, vector<16xf32>,
    %mul3A_169 = arith.constant 640 : i32
    %mul3A_170 = arith.muli %arg1, %mul3A_169 : i32
    %multiple_of3A = tpu.assume_multiple %mul3A_170, 8 : i32
    %add3A_171 = arith.constant 0 : i32
    %add3A_172 = arith.addi %multiple_of3A, %add3A_171 : i32
    "tpu.region"() ({
      %run_scoped3A_258 = tpu.sem_alloc : memref<!tpu.dma_semaphore, #tpu.memory_space<semaphore_mem>>
      %dma_start3A_259 = arith.constant 0 : i32
      %dma_start3A_260 = tpu.memref_slice %arg7[%add3A_172, %dma_start3A_259] : memref<10240x128xf32, #tpu.memory_space<vmem_shared>> -> memref<80x128xf32, #tpu.memory_space<vmem_shared>>
      %dma_start3A_261 = arith.constant 0 : i32
      %dma_start3A_262 = tpu.memref_slice %arg7[%add3A_172, %dma_start3A_261] : memref<10240x128xf32, #tpu.memory_space<vmem_shared>> -> memref<80x128xf32, #tpu.memory_space<vmem_shared>>
      tpu.enqueue_dma source(%arg9 : memref<80x128xf32, #tpu.memory_space<vmem>>) target(%dma_start3A_262 : memref<80x128xf32, #tpu.memory_space<vmem_shared>>) target_semaphore(%run_scoped3A_258 : memref<!tpu.dma_semaphore, #tpu.memory_space<semaphore_mem>>)
      %dma_wait3A_263 = arith.constant 0 : i32
      %dma_wait3A_264 = tpu.memref_slice %arg7[%add3A_172, %dma_wait3A_263] : memref<10240x128xf32, #tpu.memory_space<vmem_shared>> -> memref<80x128xf32, #tpu.memory_space<vmem_shared>>
      %dma_wait3A_265 = arith.constant 0 : i32
      %dma_wait3A_266 = tpu.memref_slice %arg7[%add3A_172, %dma_wait3A_265] : memref<10240x128xf32, #tpu.memory_space<vmem_shared>> -> memref<80x128xf32, #tpu.memory_space<vmem_shared>>
      tpu.wait_dma2 semaphore(%run_scoped3A_258 : memref<!tpu.dma_semaphore, #tpu.memory_space<semaphore_mem>>) src(%arg9 : memref<80x128xf32, #tpu.memory_space<vmem>>) dst(%dma_wait3A_266 : memref<80x128xf32, #tpu.memory_space<vmem_shared>>)
      tpu.yield
    }) : () -> ()
    %add3A_173 = arith.constant 80 : i32
    %add3A_174 = arith.addi %multiple_of3A, %add3A_173 : i32
    "tpu.region"() ({
      %run_scoped3A_258 = tpu.sem_alloc : memref<!tpu.dma_semaphore, #tpu.memory_space<semaphore_mem>>
      %dma_start3A_259 = arith.constant 0 : i32
      %dma_start3A_260 = tpu.memref_slice %arg7[%add3A_174, %dma_start3A_259] : memref<10240x128xf32, #tpu.memory_space<vmem_shared>> -> memref<80x128xf32, #tpu.memory_space<vmem_shared>>
      %dma_start3A_261 = arith.constant 0 : i32
      %dma_start3A_262 = tpu.memref_slice %arg7[%add3A_174, %dma_start3A_261] : memref<10240x128xf32, #tpu.memory_space<vmem_shared>> -> memref<80x128xf32, #tpu.memory_space<vmem_shared>>
      tpu.enqueue_dma source(%arg9 : memref<80x128xf32, #tpu.memory_space<vmem>>) target(%dma_start3A_262 : memref<80x128xf32, #tpu.memory_space<vmem_shared>>) target_semaphore(%run_scoped3A_258 : memref<!tpu.dma_semaphore, #tpu.memory_space<semaphore_mem>>)
      %dma_wait3A_263 = arith.constant 0 : i32
      %dma_wait3A_264 = tpu.memref_slice %arg7[%add3A_174, %dma_wait3A_263] : memref<10240x128xf32, #tpu.memory_space<vmem_shared>> -> memref<80x128xf32, #tpu.memory_space<vmem_shared>>
      %dma_wait3A_265 = arith.constant 0 : i32
      %dma_wait3A_266 = tpu.memref_slice %arg7[%add3A_174, %dma_wait3A_265] : memref<10240x128xf32, #tpu.memory_space<vmem_shared>> -> memref<80x128xf32, #tpu.memory_space<vmem_shared>>
      tpu.wait_dma2 semaphore(%run_scoped3A_258 : memref<!tpu.dma_semaphore, #tpu.memory_space<semaphore_mem>>) src(%arg9 : memref<80x128xf32, #tpu.memory_space<vmem>>) dst(%dma_wait3A_266 : memref<80x128xf32, #tpu.memory_space<vmem_shared>>)
      tpu.yield
    }) : () -> ()
    %add3A_175 = arith.constant 160 : i32
    %add3A_176 = arith.addi %multiple_of3A, %add3A_175 : i32
    "tpu.region"() ({
      %run_scoped3A_258 = tpu.sem_alloc : memref<!tpu.dma_semaphore, #tpu.memory_space<semaphore_mem>>
      %dma_start3A_259 = arith.constant 0 : i32
      %dma_start3A_260 = tpu.memref_slice %arg7[%add3A_176, %dma_start3A_259] : memref<10240x128xf32, #tpu.memory_space<vmem_shared>> -> memref<80x128xf32, #tpu.memory_space<vmem_shared>>
      %dma_start3A_261 = arith.constant 0 : i32
      %dma_start3A_262 = tpu.memref_slice %arg7[%add3A_176, %dma_start3A_261] : memref<10240x128xf32, #tpu.memory_space<vmem_shared>> -> memref<80x128xf32, #tpu.memory_space<vmem_shared>>
      tpu.enqueue_dma source(%arg9 : memref<80x128xf32, #tpu.memory_space<vmem>>) target(%dma_start3A_262 : memref<80x128xf32, #tpu.memory_space<vmem_shared>>) target_semaphore(%run_scoped3A_258 : memref<!tpu.dma_semaphore, #tpu.memory_space<semaphore_mem>>)
      %dma_wait3A_263 = arith.constant 0 : i32
      %dma_wait3A_264 = tpu.memref_slice %arg7[%add3A_176, %dma_wait3A_263] : memref<10240x128xf32, #tpu.memory_space<vmem_shared>> -> memref<80x128xf32, #tpu.memory_space<vmem_shared>>
      %dma_wait3A_265 = arith.constant 0 : i32
      %dma_wait3A_266 = tpu.memref_slice %arg7[%add3A_176, %dma_wait3A_265] : memref<10240x128xf32, #tpu.memory_space<vmem_shared>> -> memref<80x128xf32, #tpu.memory_space<vmem_shared>>
      tpu.wait_dma2 semaphore(%run_scoped3A_258 : memref<!tpu.dma_semaphore, #tpu.memory_space<semaphore_mem>>) src(%arg9 : memref<80x128xf32, #tpu.memory_space<vmem>>) dst(%dma_wait3A_266 : memref<80x128xf32, #tpu.memory_space<vmem_shared>>)
      tpu.yield
    }) : () -> ()
    %add3A_177 = arith.constant 240 : i32
    %add3A_178 = arith.addi %multiple_of3A, %add3A_177 : i32
    "tpu.region"() ({
      %run_scoped3A_258 = tpu.sem_alloc : memref<!tpu.dma_semaphore, #tpu.memory_space<semaphore_mem>>
      %dma_start3A_259 = arith.constant 0 : i32
      %dma_start3A_260 = tpu.memref_slice %arg7[%add3A_178, %dma_start3A_259] : memref<10240x128xf32, #tpu.memory_space<vmem_shared>> -> memref<80x128xf32, #tpu.memory_space<vmem_shared>>
      %dma_start3A_261 = arith.constant 0 : i32
      %dma_start3A_262 = tpu.memref_slice %arg7[%add3A_178, %dma_start3A_261] : memref<10240x128xf32, #tpu.memory_space<vmem_shared>> -> memref<80x128xf32, #tpu.memory_space<vmem_shared>>
      tpu.enqueue_dma source(%arg9 : memref<80x128xf32, #tpu.memory_space<vmem>>) target(%dma_start3A_262 : memref<80x128xf32, #tpu.memory_space<vmem_shared>>) target_semaphore(%run_scoped3A_258 : memref<!tpu.dma_semaphore, #tpu.memory_space<semaphore_mem>>)
      %dma_wait3A_263 = arith.constant 0 : i32
      %dma_wait3A_264 = tpu.memref_slice %arg7[%add3A_178, %dma_wait3A_263] : memref<10240x128xf32, #tpu.memory_space<vmem_shared>> -> memref<80x128xf32, #tpu.memory_space<vmem_shared>>
      %dma_wait3A_265 = arith.constant 0 : i32
      %dma_wait3A_266 = tpu.memref_slice %arg7[%add3A_178, %dma_wait3A_265] : memref<10240x128xf32, #tpu.memory_space<vmem_shared>> -> memref<80x128xf32, #tpu.memory_space<vmem_shared>>
      tpu.wait_dma2 semaphore(%run_scoped3A_258 : memref<!tpu.dma_semaphore, #tpu.memory_space<semaphore_mem>>) src(%arg9 : memref<80x128xf32, #tpu.memory_space<vmem>>) dst(%dma_wait3A_266 : memref<80x128xf32, #tpu.memory_space<vmem_shared>>)
      tpu.yield
    }) : () -> ()
    %add3A_179 = arith.constant 320 : i32
    %add3A_180 = arith.addi %multiple_of3A, %add3A_179 : i32
    "tpu.region"() ({
      %run_scoped3A_258 = tpu.sem_alloc : memref<!tpu.dma_semaphore, #tpu.memory_space<semaphore_mem>>
      %dma_start3A_259 = arith.constant 0 : i32
      %dma_start3A_260 = tpu.memref_slice %arg7[%add3A_180, %dma_start3A_259] : memref<10240x128xf32, #tpu.memory_space<vmem_shared>> -> memref<80x128xf32, #tpu.memory_space<vmem_shared>>
      %dma_start3A_261 = arith.constant 0 : i32
      %dma_start3A_262 = tpu.memref_slice %arg7[%add3A_180, %dma_start3A_261] : memref<10240x128xf32, #tpu.memory_space<vmem_shared>> -> memref<80x128xf32, #tpu.memory_space<vmem_shared>>
      tpu.enqueue_dma source(%arg9 : memref<80x128xf32, #tpu.memory_space<vmem>>) target(%dma_start3A_262 : memref<80x128xf32, #tpu.memory_space<vmem_shared>>) target_semaphore(%run_scoped3A_258 : memref<!tpu.dma_semaphore, #tpu.memory_space<semaphore_mem>>)
      %dma_wait3A_263 = arith.constant 0 : i32
      %dma_wait3A_264 = tpu.memref_slice %arg7[%add3A_180, %dma_wait3A_263] : memref<10240x128xf32, #tpu.memory_space<vmem_shared>> -> memref<80x128xf32, #tpu.memory_space<vmem_shared>>
      %dma_wait3A_265 = arith.constant 0 : i32
      %dma_wait3A_266 = tpu.memref_slice %arg7[%add3A_180, %dma_wait3A_265] : memref<10240x128xf32, #tpu.memory_space<vmem_shared>> -> memref<80x128xf32, #tpu.memory_space<vmem_shared>>
      tpu.wait_dma2 semaphore(%run_scoped3A_258 : memref<!tpu.dma_semaphore, #tpu.memory_space<semaphore_mem>>) src(%arg9 : memref<80x128xf32, #tpu.memory_space<vmem>>) dst(%dma_wait3A_266 : memref<80x128xf32, #tpu.memory_space<vmem_shared>>)
      tpu.yield
    }) : () -> ()
    %add3A_181 = arith.constant 400 : i32
    %add3A_182 = arith.addi %multiple_of3A, %add3A_181 : i32
    "tpu.region"() ({
      %run_scoped3A_258 = tpu.sem_alloc : memref<!tpu.dma_semaphore, #tpu.memory_space<semaphore_mem>>
      %dma_start3A_259 = arith.constant 0 : i32
      %dma_start3A_260 = tpu.memref_slice %arg7[%add3A_182, %dma_start3A_259] : memref<10240x128xf32, #tpu.memory_space<vmem_shared>> -> memref<80x128xf32, #tpu.memory_space<vmem_shared>>
      %dma_start3A_261 = arith.constant 0 : i32
      %dma_start3A_262 = tpu.memref_slice %arg7[%add3A_182, %dma_start3A_261] : memref<10240x128xf32, #tpu.memory_space<vmem_shared>> -> memref<80x128xf32, #tpu.memory_space<vmem_shared>>
      tpu.enqueue_dma source(%arg9 : memref<80x128xf32, #tpu.memory_space<vmem>>) target(%dma_start3A_262 : memref<80x128xf32, #tpu.memory_space<vmem_shared>>) target_semaphore(%run_scoped3A_258 : memref<!tpu.dma_semaphore, #tpu.memory_space<semaphore_mem>>)
      %dma_wait3A_263 = arith.constant 0 : i32
      %dma_wait3A_264 = tpu.memref_slice %arg7[%add3A_182, %dma_wait3A_263] : memref<10240x128xf32, #tpu.memory_space<vmem_shared>> -> memref<80x128xf32, #tpu.memory_space<vmem_shared>>
      %dma_wait3A_265 = arith.constant 0 : i32
      %dma_wait3A_266 = tpu.memref_slice %arg7[%add3A_182, %dma_wait3A_265] : memref<10240x128xf32, #tpu.memory_space<vmem_shared>> -> memref<80x128xf32, #tpu.memory_space<vmem_shared>>
      tpu.wait_dma2 semaphore(%run_scoped3A_258 : memref<!tpu.dma_semaphore, #tpu.memory_space<semaphore_mem>>) src(%arg9 : memref<80x128xf32, #tpu.memory_space<vmem>>) dst(%dma_wait3A_266 : memref<80x128xf32, #tpu.memory_space<vmem_shared>>)
      tpu.yield
    }) : () -> ()
    %add3A_183 = arith.constant 480 : i32
    %add3A_184 = arith.addi %multiple_of3A, %add3A_183 : i32
    "tpu.region"() ({
      %run_scoped3A_258 = tpu.sem_alloc : memref<!tpu.dma_semaphore, #tpu.memory_space<semaphore_mem>>
      %dma_start3A_259 = arith.constant 0 : i32
      %dma_start3A_260 = tpu.memref_slice %arg7[%add3A_184, %dma_start3A_259] : memref<10240x128xf32, #tpu.memory_space<vmem_shared>> -> memref<80x128xf32, #tpu.memory_space<vmem_shared>>
      %dma_start3A_261 = arith.constant 0 : i32
      %dma_start3A_262 = tpu.memref_slice %arg7[%add3A_184, %dma_start3A_261] : memref<10240x128xf32, #tpu.memory_space<vmem_shared>> -> memref<80x128xf32, #tpu.memory_space<vmem_shared>>
      tpu.enqueue_dma source(%arg9 : memref<80x128xf32, #tpu.memory_space<vmem>>) target(%dma_start3A_262 : memref<80x128xf32, #tpu.memory_space<vmem_shared>>) target_semaphore(%run_scoped3A_258 : memref<!tpu.dma_semaphore, #tpu.memory_space<semaphore_mem>>)
      %dma_wait3A_263 = arith.constant 0 : i32
      %dma_wait3A_264 = tpu.memref_slice %arg7[%add3A_184, %dma_wait3A_263] : memref<10240x128xf32, #tpu.memory_space<vmem_shared>> -> memref<80x128xf32, #tpu.memory_space<vmem_shared>>
      %dma_wait3A_265 = arith.constant 0 : i32
      %dma_wait3A_266 = tpu.memref_slice %arg7[%add3A_184, %dma_wait3A_265] : memref<10240x128xf32, #tpu.memory_space<vmem_shared>> -> memref<80x128xf32, #tpu.memory_space<vmem_shared>>
      tpu.wait_dma2 semaphore(%run_scoped3A_258 : memref<!tpu.dma_semaphore, #tpu.memory_space<semaphore_mem>>) src(%arg9 : memref<80x128xf32, #tpu.memory_space<vmem>>) dst(%dma_wait3A_266 : memref<80x128xf32, #tpu.memory_space<vmem_shared>>)
      tpu.yield
    }) : () -> ()
    %add3A_185 = arith.constant 560 : i32
    %add3A_186 = arith.addi %multiple_of3A, %add3A_185 : i32
    "tpu.region"() ({
      %run_scoped3A_258 = tpu.sem_alloc : memref<!tpu.dma_semaphore, #tpu.memory_space<semaphore_mem>>
      %dma_start3A_259 = arith.constant 0 : i32
      %dma_start3A_260 = tpu.memref_slice %arg7[%add3A_186, %dma_start3A_259] : memref<10240x128xf32, #tpu.memory_space<vmem_shared>> -> memref<80x128xf32, #tpu.memory_space<vmem_shared>>
      %dma_start3A_261 = arith.constant 0 : i32
      %dma_start3A_262 = tpu.memref_slice %arg7[%add3A_186, %dma_start3A_261] : memref<10240x128xf32, #tpu.memory_space<vmem_shared>> -> memref<80x128xf32, #tpu.memory_space<vmem_shared>>
      tpu.enqueue_dma source(%arg9 : memref<80x128xf32, #tpu.memory_space<vmem>>) target(%dma_start3A_262 : memref<80x128xf32, #tpu.memory_space<vmem_shared>>) target_semaphore(%run_scoped3A_258 : memref<!tpu.dma_semaphore, #tpu.memory_space<semaphore_mem>>)
      %dma_wait3A_263 = arith.constant 0 : i32
      %dma_wait3A_264 = tpu.memref_slice %arg7[%add3A_186, %dma_wait3A_263] : memref<10240x128xf32, #tpu.memory_space<vmem_shared>> -> memref<80x128xf32, #tpu.memory_space<vmem_shared>>
      %dma_wait3A_265 = arith.constant 0 : i32
      %dma_wait3A_266 = tpu.memref_slice %arg7[%add3A_186, %dma_wait3A_265] : memref<10240x128xf32, #tpu.memory_space<vmem_shared>> -> memref<80x128xf32, #tpu.memory_space<vmem_shared>>
      tpu.wait_dma2 semaphore(%run_scoped3A_258 : memref<!tpu.dma_semaphore, #tpu.memory_space<semaphore_mem>>) src(%arg9 : memref<80x128xf32, #tpu.memory_space<vmem>>) dst(%dma_wait3A_266 : memref<80x128xf32, #tpu.memory_space<vmem_shared>>)
      tpu.yield
    }) : () -> ()
    "tpu.region"() ({
      %run_scoped3A_258 = tpu.sem_alloc : memref<!tpu.dma_semaphore, #tpu.memory_space<semaphore_mem>>
      %dma_start3A_259 = tpu.memref_slice %arg8[%multiple_of3A] : memref<10240xf32, #tpu.memory_space<vmem_shared>> -> memref<640xf32, #tpu.memory_space<vmem_shared>>
      %dma_start3A_260 = tpu.memref_slice %arg8[%multiple_of3A] : memref<10240xf32, #tpu.memory_space<vmem_shared>> -> memref<640xf32, #tpu.memory_space<vmem_shared>>
      tpu.enqueue_dma source(%arg15 : memref<640xf32, #tpu.memory_space<vmem>>) target(%dma_start3A_260 : memref<640xf32, #tpu.memory_space<vmem_shared>>) target_semaphore(%run_scoped3A_258 : memref<!tpu.dma_semaphore, #tpu.memory_space<semaphore_mem>>)
      %dma_wait3A_261 = tpu.memref_slice %arg8[%multiple_of3A] : memref<10240xf32, #tpu.memory_space<vmem_shared>> -> memref<640xf32, #tpu.memory_space<vmem_shared>>
      %dma_wait3A_262 = tpu.memref_slice %arg8[%multiple_of3A] : memref<10240xf32, #tpu.memory_space<vmem_shared>> -> memref<640xf32, #tpu.memory_space<vmem_shared>>
      tpu.wait_dma2 semaphore(%run_scoped3A_258 : memref<!tpu.dma_semaphore, #tpu.memory_space<semaphore_mem>>) src(%arg15 : memref<640xf32, #tpu.memory_space<vmem>>) dst(%dma_wait3A_262 : memref<640xf32, #tpu.memory_space<vmem_shared>>)
      tpu.yield
    }) : () -> ()
    %barrier3A = arith.constant 0 : index
    tpu.barrier barrier_id(%barrier3A)
    %add3A_187 = arith.constant 0 : i32
    %add3A_188 = arith.addi %mul3A_2, %add3A_187 : i32
    %jit3A = arith.constant true
    %select_n3A = arith.select %jit3A, %add3A_188, %mul3A_2 : i32
    %multiple_of3A_189 = tpu.assume_multiple %select_n3A, 8 : i32
    %dma_start3A = tpu.memref_slice %arg4[%multiple_of3A_189] : memref<320000xi32, #tpu.memory_space<hbm>> -> memref<80xi32, #tpu.memory_space<hbm>>
    %dma_start3A_190 = tpu.memref_slice %arg4[%multiple_of3A_189] : memref<320000xi32, #tpu.memory_space<hbm>> -> memref<80xi32, #tpu.memory_space<hbm>>
    tpu.enqueue_dma source(%dma_start3A_190 : memref<80xi32, #tpu.memory_space<hbm>>) target(%arg11 : memref<80xi32, #tpu.memory_space<vmem>>) target_semaphore(%arg16 : memref<!tpu.dma_semaphore, #tpu.memory_space<semaphore_mem>>)
    %dma_start3A_191 = tpu.memref_slice %arg3[%multiple_of3A_189] : memref<320000xf32, #tpu.memory_space<hbm>> -> memref<80xf32, #tpu.memory_space<hbm>>
    %dma_start3A_192 = tpu.memref_slice %arg3[%multiple_of3A_189] : memref<320000xf32, #tpu.memory_space<hbm>> -> memref<80xf32, #tpu.memory_space<hbm>>
    tpu.enqueue_dma source(%dma_start3A_192 : memref<80xf32, #tpu.memory_space<hbm>>) target(%arg13 : memref<80xf32, #tpu.memory_space<vmem>>) target_semaphore(%arg17 : memref<!tpu.dma_semaphore, #tpu.memory_space<semaphore_mem>>)
    %dma_start3A_193 = arith.constant 0 : i32
    %dma_start3A_194 = tpu.memref_slice %arg2[%multiple_of3A_189, %dma_start3A_193] : memref<320000x128xf32, #tpu.memory_space<hbm>> -> memref<80x128xf32, #tpu.memory_space<hbm>>
    %dma_start3A_195 = arith.constant 0 : i32
    %dma_start3A_196 = tpu.memref_slice %arg2[%multiple_of3A_189, %dma_start3A_195] : memref<320000x128xf32, #tpu.memory_space<hbm>> -> memref<80x128xf32, #tpu.memory_space<hbm>>
    tpu.enqueue_dma source(%dma_start3A_196 : memref<80x128xf32, #tpu.memory_space<hbm>>) target(%arg9 : memref<80x128xf32, #tpu.memory_space<vmem>>) target_semaphore(%arg18 : memref<!tpu.dma_semaphore, #tpu.memory_space<semaphore_mem>>)
    %dma_wait3A = arith.constant 0 : i32
    %dma_wait3A_197 = tpu.memref_slice %arg4[%dma_wait3A] : memref<320000xi32, #tpu.memory_space<hbm>> -> memref<80xi32, #tpu.memory_space<hbm>>
    %dma_wait3A_198 = arith.constant 0 : i32
    %dma_wait3A_199 = tpu.memref_slice %arg4[%dma_wait3A_198] : memref<320000xi32, #tpu.memory_space<hbm>> -> memref<80xi32, #tpu.memory_space<hbm>>
    tpu.wait_dma2 semaphore(%arg16 : memref<!tpu.dma_semaphore, #tpu.memory_space<semaphore_mem>>) src(%dma_wait3A_199 : memref<80xi32, #tpu.memory_space<hbm>>) dst(%arg11 : memref<80xi32, #tpu.memory_space<vmem>>)
    %dma_wait3A_200 = arith.constant 0 : i32
    %dma_wait3A_201 = tpu.memref_slice %arg3[%dma_wait3A_200] : memref<320000xf32, #tpu.memory_space<hbm>> -> memref<80xf32, #tpu.memory_space<hbm>>
    %dma_wait3A_202 = arith.constant 0 : i32
    %dma_wait3A_203 = tpu.memref_slice %arg3[%dma_wait3A_202] : memref<320000xf32, #tpu.memory_space<hbm>> -> memref<80xf32, #tpu.memory_space<hbm>>
    tpu.wait_dma2 semaphore(%arg17 : memref<!tpu.dma_semaphore, #tpu.memory_space<semaphore_mem>>) src(%dma_wait3A_203 : memref<80xf32, #tpu.memory_space<hbm>>) dst(%arg13 : memref<80xf32, #tpu.memory_space<vmem>>)
    %dma_wait3A_204 = arith.constant 0 : i32
    %dma_wait3A_205 = arith.constant 0 : i32
    %dma_wait3A_206 = tpu.memref_slice %arg2[%dma_wait3A_204, %dma_wait3A_205] : memref<320000x128xf32, #tpu.memory_space<hbm>> -> memref<80x128xf32, #tpu.memory_space<hbm>>
    %dma_wait3A_207 = arith.constant 0 : i32
    %dma_wait3A_208 = arith.constant 0 : i32
    %dma_wait3A_209 = tpu.memref_slice %arg2[%dma_wait3A_207, %dma_wait3A_208] : memref<320000x128xf32, #tpu.memory_space<hbm>> -> memref<80x128xf32, #tpu.memory_space<hbm>>
    tpu.wait_dma2 semaphore(%arg18 : memref<!tpu.dma_semaphore, #tpu.memory_space<semaphore_mem>>) src(%dma_wait3A_209 : memref<80x128xf32, #tpu.memory_space<hbm>>) dst(%arg9 : memref<80x128xf32, #tpu.memory_space<vmem>>)
    %dma_start3A_210 = arith.constant 0 : i32
    %dma_start3A_211 = arith.constant 0 : i32
    %dma_start3A_212 = tpu.memref_slice %arg7[%dma_start3A_210, %dma_start3A_211] : memref<10240x128xf32, #tpu.memory_space<vmem_shared>> -> memref<10240x128xf32, #tpu.memory_space<vmem_shared>>
    tpu.enqueue_indirect_dma source(%arg9 : memref<80x128xf32, #tpu.memory_space<vmem>>) target(%dma_start3A_212 : memref<10240x128xf32, #tpu.memory_space<vmem_shared>>) offsets(%arg11 : memref<80xi32, #tpu.memory_space<vmem>>) semaphore(%arg22 : memref<!tpu.dma_semaphore, #tpu.memory_space<semaphore_mem>>) {add = true}
    %dma_start3A_213 = arith.constant 0 : i32
    %dma_start3A_214 = tpu.memref_slice %arg8[%dma_start3A_213] : memref<10240xf32, #tpu.memory_space<vmem_shared>> -> memref<10240xf32, #tpu.memory_space<vmem_shared>>
    tpu.enqueue_indirect_dma source(%arg13 : memref<80xf32, #tpu.memory_space<vmem>>) target(%dma_start3A_214 : memref<10240xf32, #tpu.memory_space<vmem_shared>>) offsets(%arg11 : memref<80xi32, #tpu.memory_space<vmem>>) semaphore(%arg23 : memref<!tpu.dma_semaphore, #tpu.memory_space<semaphore_mem>>) {add = true}
    %add3A_215 = arith.constant 80 : i32
    %add3A_216 = arith.addi %mul3A_2, %add3A_215 : i32
    %jit3A_217 = arith.constant true
    %select_n3A_218 = arith.select %jit3A_217, %add3A_216, %mul3A_2 : i32
    %multiple_of3A_219 = tpu.assume_multiple %select_n3A_218, 8 : i32
    %dma_start3A_220 = tpu.memref_slice %arg4[%multiple_of3A_219] : memref<320000xi32, #tpu.memory_space<hbm>> -> memref<80xi32, #tpu.memory_space<hbm>>
    %dma_start3A_221 = tpu.memref_slice %arg4[%multiple_of3A_219] : memref<320000xi32, #tpu.memory_space<hbm>> -> memref<80xi32, #tpu.memory_space<hbm>>
    tpu.enqueue_dma source(%dma_start3A_221 : memref<80xi32, #tpu.memory_space<hbm>>) target(%arg12 : memref<80xi32, #tpu.memory_space<vmem>>) target_semaphore(%arg19 : memref<!tpu.dma_semaphore, #tpu.memory_space<semaphore_mem>>)
    %dma_start3A_222 = tpu.memref_slice %arg3[%multiple_of3A_219] : memref<320000xf32, #tpu.memory_space<hbm>> -> memref<80xf32, #tpu.memory_space<hbm>>
    %dma_start3A_223 = tpu.memref_slice %arg3[%multiple_of3A_219] : memref<320000xf32, #tpu.memory_space<hbm>> -> memref<80xf32, #tpu.memory_space<hbm>>
    tpu.enqueue_dma source(%dma_start3A_223 : memref<80xf32, #tpu.memory_space<hbm>>) target(%arg14 : memref<80xf32, #tpu.memory_space<vmem>>) target_semaphore(%arg20 : memref<!tpu.dma_semaphore, #tpu.memory_space<semaphore_mem>>)
    %dma_start3A_224 = arith.constant 0 : i32
    %dma_start3A_225 = tpu.memref_slice %arg2[%multiple_of3A_219, %dma_start3A_224] : memref<320000x128xf32, #tpu.memory_space<hbm>> -> memref<80x128xf32, #tpu.memory_space<hbm>>
    %dma_start3A_226 = arith.constant 0 : i32
    %dma_start3A_227 = tpu.memref_slice %arg2[%multiple_of3A_219, %dma_start3A_226] : memref<320000x128xf32, #tpu.memory_space<hbm>> -> memref<80x128xf32, #tpu.memory_space<hbm>>
    tpu.enqueue_dma source(%dma_start3A_227 : memref<80x128xf32, #tpu.memory_space<hbm>>) target(%arg10 : memref<80x128xf32, #tpu.memory_space<vmem>>) target_semaphore(%arg21 : memref<!tpu.dma_semaphore, #tpu.memory_space<semaphore_mem>>)
    %scan3A_228 = arith.constant 0 : i32
    %scan3A_229 = arith.constant 0 : i32
    %scan3A_230 = arith.constant 62 : i32
    %scan3A_231 = arith.addi %scan3A_229, %scan3A_230 : i32
    %scan3A_232 = arith.constant 1 : i32
    %scan3A_233 = scf.for %scan3A_258 = %scan3A_229 to %scan3A_231 step %scan3A_232 iter_args(%scan3A_259 = %scan3A_228) -> (i32)  : i32 {
      %mul3A_260 = arith.constant 2 : i32
      %mul3A_261 = arith.muli %mul3A_260, %scan3A_258 : i32
      %add3A_262 = arith.constant 1 : i32
      %add3A_263 = arith.addi %mul3A_261, %add3A_262 : i32
      %add3A_264 = arith.constant 0 : i32
      %add3A_265 = arith.addi %add3A_263, %add3A_264 : i32
      %dma_wait3A_266 = arith.constant 0 : i32
      %dma_wait3A_267 = tpu.memref_slice %arg4[%dma_wait3A_266] : memref<320000xi32, #tpu.memory_space<hbm>> -> memref<80xi32, #tpu.memory_space<hbm>>
      %dma_wait3A_268 = arith.constant 0 : i32
      %dma_wait3A_269 = tpu.memref_slice %arg4[%dma_wait3A_268] : memref<320000xi32, #tpu.memory_space<hbm>> -> memref<80xi32, #tpu.memory_space<hbm>>
      tpu.wait_dma2 semaphore(%arg19 : memref<!tpu.dma_semaphore, #tpu.memory_space<semaphore_mem>>) src(%dma_wait3A_269 : memref<80xi32, #tpu.memory_space<hbm>>) dst(%arg12 : memref<80xi32, #tpu.memory_space<vmem>>)
      %dma_wait3A_270 = arith.constant 0 : i32
      %dma_wait3A_271 = tpu.memref_slice %arg3[%dma_wait3A_270] : memref<320000xf32, #tpu.memory_space<hbm>> -> memref<80xf32, #tpu.memory_space<hbm>>
      %dma_wait3A_272 = arith.constant 0 : i32
      %dma_wait3A_273 = tpu.memref_slice %arg3[%dma_wait3A_272] : memref<320000xf32, #tpu.memory_space<hbm>> -> memref<80xf32, #tpu.memory_space<hbm>>
      tpu.wait_dma2 semaphore(%arg20 : memref<!tpu.dma_semaphore, #tpu.memory_space<semaphore_mem>>) src(%dma_wait3A_273 : memref<80xf32, #tpu.memory_space<hbm>>) dst(%arg14 : memref<80xf32, #tpu.memory_space<vmem>>)
      %dma_wait3A_274 = arith.constant 0 : i32
      %dma_wait3A_275 = arith.constant 0 : i32
      %dma_wait3A_276 = tpu.memref_slice %arg2[%dma_wait3A_274, %dma_wait3A_275] : memref<320000x128xf32, #tpu.memory_space<hbm>> -> memref<80x128xf32, #tpu.memory_space<hbm>>
      %dma_wait3A_277 = arith.constant 0 : i32
      %dma_wait3A_278 = arith.constant 0 : i32
      %dma_wait3A_279 = tpu.memref_slice %arg2[%dma_wait3A_277, %dma_wait3A_278] : memref<320000x128xf32, #tpu.memory_space<hbm>> -> memref<80x128xf32, #tpu.memory_space<hbm>>
      tpu.wait_dma2 semaphore(%arg21 : memref<!tpu.dma_semaphore, #tpu.memory_space<semaphore_mem>>) src(%dma_wait3A_279 : memref<80x128xf32, #tpu.memory_space<hbm>>) dst(%arg10 : memref<80x128xf32, #tpu.memory_space<vmem>>)
      %dma_start3A_280 = arith.constant 0 : i32
      %dma_start3A_281 = arith.constant 0 : i32
      %dma_start3A_282 = tpu.memref_slice %arg7[%dma_start3A_280, %dma_start3A_281] : memref<10240x128xf32, #tpu.memory_space<vmem_shared>> -> memref<10240x128xf32, #tpu.memory_space<vmem_shared>>
      tpu.enqueue_indirect_dma source(%arg10 : memref<80x128xf32, #tpu.memory_space<vmem>>) target(%dma_start3A_282 : memref<10240x128xf32, #tpu.memory_space<vmem_shared>>) offsets(%arg12 : memref<80xi32, #tpu.memory_space<vmem>>) semaphore(%arg24 : memref<!tpu.dma_semaphore, #tpu.memory_space<semaphore_mem>>) {add = true}
      %dma_start3A_283 = arith.constant 0 : i32
      %dma_start3A_284 = tpu.memref_slice %arg8[%dma_start3A_283] : memref<10240xf32, #tpu.memory_space<vmem_shared>> -> memref<10240xf32, #tpu.memory_space<vmem_shared>>
      tpu.enqueue_indirect_dma source(%arg14 : memref<80xf32, #tpu.memory_space<vmem>>) target(%dma_start3A_284 : memref<10240xf32, #tpu.memory_space<vmem_shared>>) offsets(%arg12 : memref<80xi32, #tpu.memory_space<vmem>>) semaphore(%arg25 : memref<!tpu.dma_semaphore, #tpu.memory_space<semaphore_mem>>) {add = true}
      %dma_wait3A_285 = arith.constant 0 : i32
      %dma_wait3A_286 = arith.constant 0 : i32
      %dma_wait3A_287 = tpu.memref_slice %arg7[%dma_wait3A_285, %dma_wait3A_286] : memref<10240x128xf32, #tpu.memory_space<vmem_shared>> -> memref<10240x128xf32, #tpu.memory_space<vmem_shared>>
      tpu.wait_indirect_dma semaphore(%arg22 : memref<!tpu.dma_semaphore, #tpu.memory_space<semaphore_mem>>) src(%arg9 : memref<80x128xf32, #tpu.memory_space<vmem>>) dst(%dma_wait3A_287 : memref<10240x128xf32, #tpu.memory_space<vmem_shared>>)
      %dma_wait3A_288 = arith.constant 0 : i32
      %dma_wait3A_289 = tpu.memref_slice %arg8[%dma_wait3A_288] : memref<10240xf32, #tpu.memory_space<vmem_shared>> -> memref<10240xf32, #tpu.memory_space<vmem_shared>>
      tpu.wait_indirect_dma semaphore(%arg23 : memref<!tpu.dma_semaphore, #tpu.memory_space<semaphore_mem>>) src(%arg13 : memref<80xf32, #tpu.memory_space<vmem>>) dst(%dma_wait3A_289 : memref<10240xf32, #tpu.memory_space<vmem_shared>>)
      %add3A_290 = arith.constant 1 : i32
      %add3A_291 = arith.addi %add3A_265, %add3A_290 : i32
      %lt3A = arith.constant 125 : i32
      %lt3A_292 = arith.cmpi slt, %add3A_291, %lt3A : i32
      %mul3A_293 = arith.constant 80 : i32
      %mul3A_294 = arith.muli %add3A_291, %mul3A_293 : i32
      %add3A_295 = arith.addi %mul3A_2, %mul3A_294 : i32
      %select_n3A_296 = arith.select %lt3A_292, %add3A_295, %mul3A_2 : i32
      %multiple_of3A_297 = tpu.assume_multiple %select_n3A_296, 8 : i32
      %dma_start3A_298 = tpu.memref_slice %arg4[%multiple_of3A_297] : memref<320000xi32, #tpu.memory_space<hbm>> -> memref<80xi32, #tpu.memory_space<hbm>>
      %dma_start3A_299 = tpu.memref_slice %arg4[%multiple_of3A_297] : memref<320000xi32, #tpu.memory_space<hbm>> -> memref<80xi32, #tpu.memory_space<hbm>>
      tpu.enqueue_dma source(%dma_start3A_299 : memref<80xi32, #tpu.memory_space<hbm>>) target(%arg11 : memref<80xi32, #tpu.memory_space<vmem>>) target_semaphore(%arg16 : memref<!tpu.dma_semaphore, #tpu.memory_space<semaphore_mem>>)
      %dma_start3A_300 = tpu.memref_slice %arg3[%multiple_of3A_297] : memref<320000xf32, #tpu.memory_space<hbm>> -> memref<80xf32, #tpu.memory_space<hbm>>
      %dma_start3A_301 = tpu.memref_slice %arg3[%multiple_of3A_297] : memref<320000xf32, #tpu.memory_space<hbm>> -> memref<80xf32, #tpu.memory_space<hbm>>
      tpu.enqueue_dma source(%dma_start3A_301 : memref<80xf32, #tpu.memory_space<hbm>>) target(%arg13 : memref<80xf32, #tpu.memory_space<vmem>>) target_semaphore(%arg17 : memref<!tpu.dma_semaphore, #tpu.memory_space<semaphore_mem>>)
      %dma_start3A_302 = arith.constant 0 : i32
      %dma_start3A_303 = tpu.memref_slice %arg2[%multiple_of3A_297, %dma_start3A_302] : memref<320000x128xf32, #tpu.memory_space<hbm>> -> memref<80x128xf32, #tpu.memory_space<hbm>>
      %dma_start3A_304 = arith.constant 0 : i32
      %dma_start3A_305 = tpu.memref_slice %arg2[%multiple_of3A_297, %dma_start3A_304] : memref<320000x128xf32, #tpu.memory_space<hbm>> -> memref<80x128xf32, #tpu.memory_space<hbm>>
      tpu.enqueue_dma source(%dma_start3A_305 : memref<80x128xf32, #tpu.memory_space<hbm>>) target(%arg9 : memref<80x128xf32, #tpu.memory_space<vmem>>) target_semaphore(%arg18 : memref<!tpu.dma_semaphore, #tpu.memory_space<semaphore_mem>>)
      %mul3A_306 = arith.constant 2 : i32
      %mul3A_307 = arith.muli %mul3A_306, %scan3A_258 : i32
      %add3A_308 = arith.constant 1 : i32
      %add3A_309 = arith.addi %mul3A_307, %add3A_308 : i32
      %add3A_310 = arith.constant 1 : i32
      %add3A_311 = arith.addi %add3A_309, %add3A_310 : i32
      %dma_wait3A_312 = arith.constant 0 : i32
      %dma_wait3A_313 = tpu.memref_slice %arg4[%dma_wait3A_312] : memref<320000xi32, #tpu.memory_space<hbm>> -> memref<80xi32, #tpu.memory_space<hbm>>
      %dma_wait3A_314 = arith.constant 0 : i32
      %dma_wait3A_315 = tpu.memref_slice %arg4[%dma_wait3A_314] : memref<320000xi32, #tpu.memory_space<hbm>> -> memref<80xi32, #tpu.memory_space<hbm>>
      tpu.wait_dma2 semaphore(%arg16 : memref<!tpu.dma_semaphore, #tpu.memory_space<semaphore_mem>>) src(%dma_wait3A_315 : memref<80xi32, #tpu.memory_space<hbm>>) dst(%arg11 : memref<80xi32, #tpu.memory_space<vmem>>)
      %dma_wait3A_316 = arith.constant 0 : i32
      %dma_wait3A_317 = tpu.memref_slice %arg3[%dma_wait3A_316] : memref<320000xf32, #tpu.memory_space<hbm>> -> memref<80xf32, #tpu.memory_space<hbm>>
      %dma_wait3A_318 = arith.constant 0 : i32
      %dma_wait3A_319 = tpu.memref_slice %arg3[%dma_wait3A_318] : memref<320000xf32, #tpu.memory_space<hbm>> -> memref<80xf32, #tpu.memory_space<hbm>>
      tpu.wait_dma2 semaphore(%arg17 : memref<!tpu.dma_semaphore, #tpu.memory_space<semaphore_mem>>) src(%dma_wait3A_319 : memref<80xf32, #tpu.memory_space<hbm>>) dst(%arg13 : memref<80xf32, #tpu.memory_space<vmem>>)
      %dma_wait3A_320 = arith.constant 0 : i32
      %dma_wait3A_321 = arith.constant 0 : i32
      %dma_wait3A_322 = tpu.memref_slice %arg2[%dma_wait3A_320, %dma_wait3A_321] : memref<320000x128xf32, #tpu.memory_space<hbm>> -> memref<80x128xf32, #tpu.memory_space<hbm>>
      %dma_wait3A_323 = arith.constant 0 : i32
      %dma_wait3A_324 = arith.constant 0 : i32
      %dma_wait3A_325 = tpu.memref_slice %arg2[%dma_wait3A_323, %dma_wait3A_324] : memref<320000x128xf32, #tpu.memory_space<hbm>> -> memref<80x128xf32, #tpu.memory_space<hbm>>
      tpu.wait_dma2 semaphore(%arg18 : memref<!tpu.dma_semaphore, #tpu.memory_space<semaphore_mem>>) src(%dma_wait3A_325 : memref<80x128xf32, #tpu.memory_space<hbm>>) dst(%arg9 : memref<80x128xf32, #tpu.memory_space<vmem>>)
      %dma_start3A_326 = arith.constant 0 : i32
      %dma_start3A_327 = arith.constant 0 : i32
      %dma_start3A_328 = tpu.memref_slice %arg7[%dma_start3A_326, %dma_start3A_327] : memref<10240x128xf32, #tpu.memory_space<vmem_shared>> -> memref<10240x128xf32, #tpu.memory_space<vmem_shared>>
      tpu.enqueue_indirect_dma source(%arg9 : memref<80x128xf32, #tpu.memory_space<vmem>>) target(%dma_start3A_328 : memref<10240x128xf32, #tpu.memory_space<vmem_shared>>) offsets(%arg11 : memref<80xi32, #tpu.memory_space<vmem>>) semaphore(%arg22 : memref<!tpu.dma_semaphore, #tpu.memory_space<semaphore_mem>>) {add = true}
      %dma_start3A_329 = arith.constant 0 : i32
      %dma_start3A_330 = tpu.memref_slice %arg8[%dma_start3A_329] : memref<10240xf32, #tpu.memory_space<vmem_shared>> -> memref<10240xf32, #tpu.memory_space<vmem_shared>>
      tpu.enqueue_indirect_dma source(%arg13 : memref<80xf32, #tpu.memory_space<vmem>>) target(%dma_start3A_330 : memref<10240xf32, #tpu.memory_space<vmem_shared>>) offsets(%arg11 : memref<80xi32, #tpu.memory_space<vmem>>) semaphore(%arg23 : memref<!tpu.dma_semaphore, #tpu.memory_space<semaphore_mem>>) {add = true}
      %dma_wait3A_331 = arith.constant 0 : i32
      %dma_wait3A_332 = arith.constant 0 : i32
      %dma_wait3A_333 = tpu.memref_slice %arg7[%dma_wait3A_331, %dma_wait3A_332] : memref<10240x128xf32, #tpu.memory_space<vmem_shared>> -> memref<10240x128xf32, #tpu.memory_space<vmem_shared>>
      tpu.wait_indirect_dma semaphore(%arg24 : memref<!tpu.dma_semaphore, #tpu.memory_space<semaphore_mem>>) src(%arg10 : memref<80x128xf32, #tpu.memory_space<vmem>>) dst(%dma_wait3A_333 : memref<10240x128xf32, #tpu.memory_space<vmem_shared>>)
      %dma_wait3A_334 = arith.constant 0 : i32
      %dma_wait3A_335 = tpu.memref_slice %arg8[%dma_wait3A_334] : memref<10240xf32, #tpu.memory_space<vmem_shared>> -> memref<10240xf32, #tpu.memory_space<vmem_shared>>
      tpu.wait_indirect_dma semaphore(%arg25 : memref<!tpu.dma_semaphore, #tpu.memory_space<semaphore_mem>>) src(%arg14 : memref<80xf32, #tpu.memory_space<vmem>>) dst(%dma_wait3A_335 : memref<10240xf32, #tpu.memory_space<vmem_shared>>)
      %add3A_336 = arith.constant 1 : i32
      %add3A_337 = arith.addi %add3A_311, %add3A_336 : i32
      %lt3A_338 = arith.constant 125 : i32
      %lt3A_339 = arith.cmpi slt, %add3A_337, %lt3A_338 : i32
      %mul3A_340 = arith.constant 80 : i32
      %mul3A_341 = arith.muli %add3A_337, %mul3A_340 : i32
      %add3A_342 = arith.addi %mul3A_2, %mul3A_341 : i32
      %select_n3A_343 = arith.select %lt3A_339, %add3A_342, %mul3A_2 : i32
      %multiple_of3A_344 = tpu.assume_multiple %select_n3A_343, 8 : i32
      %dma_start3A_345 = tpu.memref_slice %arg4[%multiple_of3A_344] : memref<320000xi32, #tpu.memory_space<hbm>> -> memref<80xi32, #tpu.memory_space<hbm>>
      %dma_start3A_346 = tpu.memref_slice %arg4[%multiple_of3A_344] : memref<320000xi32, #tpu.memory_space<hbm>> -> memref<80xi32, #tpu.memory_space<hbm>>
      tpu.enqueue_dma source(%dma_start3A_346 : memref<80xi32, #tpu.memory_space<hbm>>) target(%arg12 : memref<80xi32, #tpu.memory_space<vmem>>) target_semaphore(%arg19 : memref<!tpu.dma_semaphore, #tpu.memory_space<semaphore_mem>>)
      %dma_start3A_347 = tpu.memref_slice %arg3[%multiple_of3A_344] : memref<320000xf32, #tpu.memory_space<hbm>> -> memref<80xf32, #tpu.memory_space<hbm>>
      %dma_start3A_348 = tpu.memref_slice %arg3[%multiple_of3A_344] : memref<320000xf32, #tpu.memory_space<hbm>> -> memref<80xf32, #tpu.memory_space<hbm>>
      tpu.enqueue_dma source(%dma_start3A_348 : memref<80xf32, #tpu.memory_space<hbm>>) target(%arg14 : memref<80xf32, #tpu.memory_space<vmem>>) target_semaphore(%arg20 : memref<!tpu.dma_semaphore, #tpu.memory_space<semaphore_mem>>)
      %dma_start3A_349 = arith.constant 0 : i32
      %dma_start3A_350 = tpu.memref_slice %arg2[%multiple_of3A_344, %dma_start3A_349] : memref<320000x128xf32, #tpu.memory_space<hbm>> -> memref<80x128xf32, #tpu.memory_space<hbm>>
      %dma_start3A_351 = arith.constant 0 : i32
      %dma_start3A_352 = tpu.memref_slice %arg2[%multiple_of3A_344, %dma_start3A_351] : memref<320000x128xf32, #tpu.memory_space<hbm>> -> memref<80x128xf32, #tpu.memory_space<hbm>>
      tpu.enqueue_dma source(%dma_start3A_352 : memref<80x128xf32, #tpu.memory_space<hbm>>) target(%arg10 : memref<80x128xf32, #tpu.memory_space<vmem>>) target_semaphore(%arg21 : memref<!tpu.dma_semaphore, #tpu.memory_space<semaphore_mem>>)
      %scan3A_353 = arith.constant 0 : i32
      scf.yield %scan3A_353 : i32
    }
    %scan3A_234 = arith.constant 62 : i32
    %dma_wait3A_235 = arith.constant 0 : i32
    %dma_wait3A_236 = arith.constant 0 : i32
    %dma_wait3A_237 = tpu.memref_slice %arg7[%dma_wait3A_235, %dma_wait3A_236] : memref<10240x128xf32, #tpu.memory_space<vmem_shared>> -> memref<10240x128xf32, #tpu.memory_space<vmem_shared>>
    tpu.wait_indirect_dma semaphore(%arg22 : memref<!tpu.dma_semaphore, #tpu.memory_space<semaphore_mem>>) src(%arg9 : memref<80x128xf32, #tpu.memory_space<vmem>>) dst(%dma_wait3A_237 : memref<10240x128xf32, #tpu.memory_space<vmem_shared>>)
    %dma_wait3A_238 = arith.constant 0 : i32
    %dma_wait3A_239 = tpu.memref_slice %arg8[%dma_wait3A_238] : memref<10240xf32, #tpu.memory_space<vmem_shared>> -> memref<10240xf32, #tpu.memory_space<vmem_shared>>
    tpu.wait_indirect_dma semaphore(%arg23 : memref<!tpu.dma_semaphore, #tpu.memory_space<semaphore_mem>>) src(%arg13 : memref<80xf32, #tpu.memory_space<vmem>>) dst(%dma_wait3A_239 : memref<10240xf32, #tpu.memory_space<vmem_shared>>)
    %dma_wait3A_240 = arith.constant 0 : i32
    %dma_wait3A_241 = tpu.memref_slice %arg4[%dma_wait3A_240] : memref<320000xi32, #tpu.memory_space<hbm>> -> memref<80xi32, #tpu.memory_space<hbm>>
    %dma_wait3A_242 = arith.constant 0 : i32
    %dma_wait3A_243 = tpu.memref_slice %arg4[%dma_wait3A_242] : memref<320000xi32, #tpu.memory_space<hbm>> -> memref<80xi32, #tpu.memory_space<hbm>>
    tpu.wait_dma2 semaphore(%arg19 : memref<!tpu.dma_semaphore, #tpu.memory_space<semaphore_mem>>) src(%dma_wait3A_243 : memref<80xi32, #tpu.memory_space<hbm>>) dst(%arg12 : memref<80xi32, #tpu.memory_space<vmem>>)
    %dma_wait3A_244 = arith.constant 0 : i32
    %dma_wait3A_245 = tpu.memref_slice %arg3[%dma_wait3A_244] : memref<320000xf32, #tpu.memory_space<hbm>> -> memref<80xf32, #tpu.memory_space<hbm>>
    %dma_wait3A_246 = arith.constant 0 : i32
    %dma_wait3A_247 = tpu.memref_slice %arg3[%dma_wait3A_246] : memref<320000xf32, #tpu.memory_space<hbm>> -> memref<80xf32, #tpu.memory_space<hbm>>
    tpu.wait_dma2 semaphore(%arg20 : memref<!tpu.dma_semaphore, #tpu.memory_space<semaphore_mem>>) src(%dma_wait3A_247 : memref<80xf32, #tpu.memory_space<hbm>>) dst(%arg14 : memref<80xf32, #tpu.memory_space<vmem>>)
    %dma_wait3A_248 = arith.constant 0 : i32
    %dma_wait3A_249 = arith.constant 0 : i32
    %dma_wait3A_250 = tpu.memref_slice %arg2[%dma_wait3A_248, %dma_wait3A_249] : memref<320000x128xf32, #tpu.memory_space<hbm>> -> memref<80x128xf32, #tpu.memory_space<hbm>>
    %dma_wait3A_251 = arith.constant 0 : i32
    %dma_wait3A_252 = arith.constant 0 : i32
    %dma_wait3A_253 = tpu.memref_slice %arg2[%dma_wait3A_251, %dma_wait3A_252] : memref<320000x128xf32, #tpu.memory_space<hbm>> -> memref<80x128xf32, #tpu.memory_space<hbm>>
    tpu.wait_dma2 semaphore(%arg21 : memref<!tpu.dma_semaphore, #tpu.memory_space<semaphore_mem>>) src(%dma_wait3A_253 : memref<80x128xf32, #tpu.memory_space<hbm>>) dst(%arg10 : memref<80x128xf32, #tpu.memory_space<vmem>>)
    %barrier3A_254 = arith.constant 0 : index
    tpu.barrier barrier_id(%barrier3A_254)
    %mul3A_255 = arith.constant 640 : i32
    %mul3A_256 = arith.muli %arg1, %mul3A_255 : i32
    %multiple_of3A_257 = tpu.assume_multiple %mul3A_256, 128 : i32
    "tpu.region"() ({
      %run_scoped3A_258 = tpu.sem_alloc : memref<!tpu.dma_semaphore, #tpu.memory_space<semaphore_mem>>
      %dma_start3A_259 = arith.constant 0 : i32
      %dma_start3A_260 = tpu.memref_slice %arg5[%arg0, %multiple_of3A, %dma_start3A_259] : memref<2x10240x128xf32, #tpu.memory_space<hbm>> -> memref<1x640x128xf32, #tpu.memory_space<hbm>>
      %dma_start3A_261 = tpu.memref_squeeze %dma_start3A_260 : memref<1x640x128xf32, #tpu.memory_space<hbm>> -> memref<640x128xf32, #tpu.memory_space<hbm>>
      %dma_start3A_262 = arith.constant 0 : i32
      %dma_start3A_263 = tpu.memref_slice %arg7[%multiple_of3A, %dma_start3A_262] : memref<10240x128xf32, #tpu.memory_space<vmem_shared>> -> memref<640x128xf32, #tpu.memory_space<vmem_shared>>
      tpu.enqueue_dma source(%dma_start3A_263 : memref<640x128xf32, #tpu.memory_space<vmem_shared>>) target(%dma_start3A_261 : memref<640x128xf32, #tpu.memory_space<hbm>>) target_semaphore(%run_scoped3A_258 : memref<!tpu.dma_semaphore, #tpu.memory_space<semaphore_mem>>)
      %dma_wait3A_264 = arith.constant 0 : i32
      %dma_wait3A_265 = tpu.memref_slice %arg5[%arg0, %multiple_of3A, %dma_wait3A_264] : memref<2x10240x128xf32, #tpu.memory_space<hbm>> -> memref<1x640x128xf32, #tpu.memory_space<hbm>>
      %dma_wait3A_266 = tpu.memref_squeeze %dma_wait3A_265 : memref<1x640x128xf32, #tpu.memory_space<hbm>> -> memref<640x128xf32, #tpu.memory_space<hbm>>
      %dma_wait3A_267 = arith.constant 0 : i32
      %dma_wait3A_268 = tpu.memref_slice %arg7[%multiple_of3A, %dma_wait3A_267] : memref<10240x128xf32, #tpu.memory_space<vmem_shared>> -> memref<640x128xf32, #tpu.memory_space<vmem_shared>>
      tpu.wait_dma2 semaphore(%run_scoped3A_258 : memref<!tpu.dma_semaphore, #tpu.memory_space<semaphore_mem>>) src(%dma_wait3A_268 : memref<640x128xf32, #tpu.memory_space<vmem_shared>>) dst(%dma_wait3A_266 : memref<640x128xf32, #tpu.memory_space<hbm>>)
      tpu.yield
    }) : () -> ()
    %run_scoped3A = arith.constant 0 : i32
    "tpu.region"() ({
      %run_scoped3A_258 = tpu.sem_alloc : memref<!tpu.dma_semaphore, #tpu.memory_space<semaphore_mem>>
      %dma_start3A_259 = tpu.memref_slice %arg6[%arg0, %run_scoped3A, %multiple_of3A_257] : memref<2x1x10240xf32, #tpu.memory_space<hbm>> -> memref<1x1x640xf32, #tpu.memory_space<hbm>>
      %dma_start3A_260 = tpu.memref_squeeze %dma_start3A_259 : memref<1x1x640xf32, #tpu.memory_space<hbm>> -> memref<640xf32, #tpu.memory_space<hbm>>
      %dma_start3A_261 = tpu.memref_slice %arg8[%multiple_of3A] : memref<10240xf32, #tpu.memory_space<vmem_shared>> -> memref<640xf32, #tpu.memory_space<vmem_shared>>
      tpu.enqueue_dma source(%dma_start3A_261 : memref<640xf32, #tpu.memory_space<vmem_shared>>) target(%dma_start3A_260 : memref<640xf32, #tpu.memory_space<hbm>>) target_semaphore(%run_scoped3A_258 : memref<!tpu.dma_semaphore, #tpu.memory_space<semaphore_mem>>)
      %dma_wait3A_262 = tpu.memref_slice %arg6[%arg0, %run_scoped3A, %multiple_of3A_257] : memref<2x1x10240xf32, #tpu.memory_space<hbm>> -> memref<1x1x640xf32, #tpu.memory_space<hbm>>
      %dma_wait3A_263 = tpu.memref_squeeze %dma_wait3A_262 : memref<1x1x640xf32, #tpu.memory_space<hbm>> -> memref<640xf32, #tpu.memory_space<hbm>>
      %dma_wait3A_264 = tpu.memref_slice %arg8[%multiple_of3A] : memref<10240xf32, #tpu.memory_space<vmem_shared>> -> memref<640xf32, #tpu.memory_space<vmem_shared>>
      tpu.wait_dma2 semaphore(%run_scoped3A_258 : memref<!tpu.dma_semaphore, #tpu.memory_space<semaphore_mem>>) src(%dma_wait3A_264 : memref<640xf32, #tpu.memory_space<vmem_shared>>) dst(%dma_wait3A_263 : memref<640xf32, #tpu.memory_space<hbm>>)
      tpu.yield
    }) : () -> ()
    return
  }
}

module attributes {stable_mosaic.version = 14 : i64} {
  func.func @_combine_body(%arg0: i32, %arg1: memref<2x640x128xf32, #tpu.memory_space<vmem>>, %arg2: memref<2x1x640xf32, #tpu.memory_space<vmem>>, %arg3: memref<640x128xf32, #tpu.memory_space<vmem>>) attributes {dimension_semantics = [#tpu.dimension_semantics<arbitrary>], iteration_bounds = array<i64: 16>, scalar_prefetch = 0 : i64, scratch_operands = 0 : i64, tpu.core_type = #tpu.core_type<tc>, window_params = [{transform_indices = @transform_0, window_bounds = array<i64: 2, 640, 128>}, {transform_indices = @transform_1, window_bounds = array<i64: 2, 1, 640>}, {transform_indices = @transform_2, window_bounds = array<i64: 640, 128>}]} {
    %get3A = arith.constant 0 : index
    %get3A_0 = arith.constant 0 : index
    %get3A_1 = arith.constant 0 : index
    %get3A_2 = vector.load %arg1[%get3A, %get3A_0, %get3A_1] : memref<2x640x128xf32, #tpu.memory_space<vmem>>, vector<1x640x128xf32>
    %get3A_3 = vector.shape_cast %get3A_2 : vector<1x640x128xf32> to vector<640x128xf32>
    %get3A_4 = arith.constant 1 : index
    %get3A_5 = arith.constant 0 : index
    %get3A_6 = arith.constant 0 : index
    %get3A_7 = vector.load %arg1[%get3A_4, %get3A_5, %get3A_6] : memref<2x640x128xf32, #tpu.memory_space<vmem>>, vector<1x640x128xf32>
    %get3A_8 = vector.shape_cast %get3A_7 : vector<1x640x128xf32> to vector<640x128xf32>
    %add3A = arith.addf %get3A_3, %get3A_8 : vector<640x128xf32>
    %get3A_9 = arith.constant 0 : index
    %get3A_10 = arith.constant 0 : index
    %get3A_11 = arith.constant 0 : index
    %get3A_12 = vector.load %arg2[%get3A_9, %get3A_10, %get3A_11] : memref<2x1x640xf32, #tpu.memory_space<vmem>>, vector<1x1x640xf32>
    %get3A_13 = vector.shape_cast %get3A_12 : vector<1x1x640xf32> to vector<640xf32>
    %get3A_14 = arith.constant 1 : index
    %get3A_15 = arith.constant 0 : index
    %get3A_16 = arith.constant 0 : index
    %get3A_17 = vector.load %arg2[%get3A_14, %get3A_15, %get3A_16] : memref<2x1x640xf32, #tpu.memory_space<vmem>>, vector<1x1x640xf32>
    %get3A_18 = vector.shape_cast %get3A_17 : vector<1x1x640xf32> to vector<640xf32>
    %add3A_19 = arith.addf %get3A_13, %get3A_18 : vector<640xf32>
    %reshape3A = vector.shape_cast %add3A_19 : vector<640xf32> to vector<640x1xf32>
    %gt3A = arith.constant 0.000000e+00 : f32
    %gt3A_20 = vector.broadcast %gt3A : f32 to vector<640x1xf32>
    %gt3A_21 = arith.cmpf ogt, %reshape3A, %gt3A_20 : vector<640x1xf32>
    %gt3A_22 = arith.constant 0.000000e+00 : f32
    %gt3A_23 = vector.broadcast %gt3A_22 : f32 to vector<640x1xf32>
    %gt3A_24 = arith.cmpf ogt, %reshape3A, %gt3A_23 : vector<640x1xf32>
    %jit3A = arith.constant 1.000000e+00 : f32
    %broadcast_in_dim3A = vector.broadcast %jit3A : f32 to vector<640x1xf32>
    %select_n3A = arith.select %gt3A_24, %reshape3A, %broadcast_in_dim3A : vector<640x1xi1>, vector<640x1xf32>
    %div3A = vector.broadcast %select_n3A : vector<640x1xf32> to vector<640x128xf32>
    %div3A_25 = arith.divf %add3A, %div3A : vector<640x128xf32>
    %jit3A_26 = arith.constant 0.000000e+00 : f32
    %broadcast_in_dim3A_27 = vector.shape_cast %gt3A_21 : vector<640x1xi1> to vector<640x1xi1>
    %broadcast_in_dim3A_28 = vector.broadcast %broadcast_in_dim3A_27 : vector<640x1xi1> to vector<640x128xi1>
    %broadcast_in_dim3A_29 = vector.broadcast %jit3A_26 : f32 to vector<640x128xf32>
    %select_n3A_30 = arith.select %broadcast_in_dim3A_28, %div3A_25, %broadcast_in_dim3A_29 : vector<640x128xi1>, vector<640x128xf32>
    %swap3A = arith.constant 0 : index
    %swap3A_31 = arith.constant 0 : index
    %swap3A_32 = vector.load %arg3[%swap3A, %swap3A_31] : memref<640x128xf32, #tpu.memory_space<vmem>>, vector<640x128xf32>
    tpu.vector_store %arg3[%swap3A, %swap3A_31], %select_n3A_30 {strides = array<i32>} : memref<640x128xf32, #tpu.memory_space<vmem>>, vector<640x128xf32>,
    return
  }
  func.func @transform_0(%arg0: i32) -> (i32, i32, i32) {
    %c0_i32 = arith.constant 0 : i32
    %c0_i32_0 = arith.constant 0 : i32
    %c0_i32_1 = arith.constant 0 : i32
    return %c0_i32, %arg0, %c0_i32_0 : i32, i32, i32
  }
  func.func @transform_1(%arg0: i32) -> (i32, i32, i32) {
    %c0_i32 = arith.constant 0 : i32
    %c0_i32_0 = arith.constant 0 : i32
    %c0_i32_1 = arith.constant 0 : i32
    return %c0_i32, %c0_i32_0, %arg0 : i32, i32, i32
  }
  func.func @transform_2(%arg0: i32) -> (i32, i32) {
    %c0_i32 = arith.constant 0 : i32
    %c0_i32_0 = arith.constant 0 : i32
    return %arg0, %c0_i32 : i32, i32
  }
}

module attributes {stable_mosaic.version = 14 : i64} {
  func.func @_weights_body(%arg0: i32, %arg1: memref<2000x128xf32, #tpu.memory_space<vmem>>, %arg2: memref<128x1xf32, #tpu.memory_space<vmem>>, %arg3: memref<1x1xf32, #tpu.memory_space<vmem>>, %arg4: memref<2000x128xf32, #tpu.memory_space<vmem>>, %arg5: memref<2000x1xf32, #tpu.memory_space<vmem>>) attributes {dimension_semantics = [#tpu.dimension_semantics<arbitrary>], iteration_bounds = array<i64: 160>, scalar_prefetch = 0 : i64, scratch_operands = 0 : i64, tpu.core_type = #tpu.core_type<tc>, window_params = [{transform_indices = @transform_0, window_bounds = array<i64: 2000, 128>}, {pipeline_mode = #tpu.pipeline_mode<synchronous>, transform_indices = @transform_1, window_bounds = array<i64: 128, 1>}, {pipeline_mode = #tpu.pipeline_mode<synchronous>, transform_indices = @transform_2, window_bounds = array<i64: 1, 1>}, {transform_indices = @transform_3, window_bounds = array<i64: 2000, 128>}, {transform_indices = @transform_4, window_bounds = array<i64: 2000, 1>}]} {
    %get3A = arith.constant 0 : index
    %get3A_0 = arith.constant 0 : index
    %get3A_1 = vector.load %arg1[%get3A, %get3A_0] : memref<2000x128xf32, #tpu.memory_space<vmem>>, vector<2000x128xf32>
    %get3A_2 = arith.constant 0 : index
    %get3A_3 = arith.constant 0 : index
    %get3A_4 = vector.load %arg2[%get3A_2, %get3A_3] : memref<128x1xf32, #tpu.memory_space<vmem>>, vector<128x1xf32>
    %dot_general3A = arith.constant dense<0.000000e+00> : vector<2000x1xf32>
    %dot_general3A_5 = tpu.matmul %get3A_1, %get3A_4, %dot_general3A {dimension_numbers = #tpu.dot_dimension_numbers<[1], [0], [0], [1], [0, 0, 1, 1], [], []>, transpose_lhs_hint = false} : vector<2000x128xf32>, vector<128x1xf32>, vector<2000x1xf32> -> vector<2000x1xf32>
    %get3A_6 = arith.constant 0 : index
    %get3A_7 = arith.constant 0 : index
    %get3A_8 = vector.load %arg3[%get3A_6, %get3A_7] : memref<1x1xf32, #tpu.memory_space<vmem>>, vector<1x1xf32>
    %get3A_9 = vector.extract %get3A_8[0, 0] : f32 from vector<1x1xf32>
    %add3A = vector.broadcast %get3A_9 : f32 to vector<2000x1xf32>
    %add3A_10 = arith.addf %dot_general3A_5, %add3A : vector<2000x1xf32>
    %exp3A = math.exp %add3A_10 : vector<2000x1xf32>
    %mul3A = vector.broadcast %exp3A : vector<2000x1xf32> to vector<2000x128xf32>
    %mul3A_11 = arith.mulf %get3A_1, %mul3A : vector<2000x128xf32>
    %swap3A = arith.constant 0 : index
    %swap3A_12 = arith.constant 0 : index
    %swap3A_13 = vector.load %arg4[%swap3A, %swap3A_12] : memref<2000x128xf32, #tpu.memory_space<vmem>>, vector<2000x128xf32>
    tpu.vector_store %arg4[%swap3A, %swap3A_12], %mul3A_11 {strides = array<i32>} : memref<2000x128xf32, #tpu.memory_space<vmem>>, vector<2000x128xf32>,
    %swap3A_14 = arith.constant 0 : index
    %swap3A_15 = arith.constant 0 : index
    %swap3A_16 = vector.load %arg5[%swap3A_14, %swap3A_15] : memref<2000x1xf32, #tpu.memory_space<vmem>>, vector<2000x1xf32>
    tpu.vector_store %arg5[%swap3A_14, %swap3A_15], %exp3A {strides = array<i32>} : memref<2000x1xf32, #tpu.memory_space<vmem>>, vector<2000x1xf32>,
    return
  }
  func.func @transform_0(%arg0: i32) -> (i32, i32) {
    %c0_i32 = arith.constant 0 : i32
    %c0_i32_0 = arith.constant 0 : i32
    return %arg0, %c0_i32 : i32, i32
  }
  func.func @transform_1(%arg0: i32) -> (i32, i32) {
    %c0_i32 = arith.constant 0 : i32
    %c0_i32_0 = arith.constant 0 : i32
    %c0_i32_1 = arith.constant 0 : i32
    return %c0_i32, %c0_i32_0 : i32, i32
  }
  func.func @transform_2(%arg0: i32) -> (i32, i32) {
    %c0_i32 = arith.constant 0 : i32
    %c0_i32_0 = arith.constant 0 : i32
    %c0_i32_1 = arith.constant 0 : i32
    return %c0_i32, %c0_i32_0 : i32, i32
  }
  func.func @transform_3(%arg0: i32) -> (i32, i32) {
    %c0_i32 = arith.constant 0 : i32
    %c0_i32_0 = arith.constant 0 : i32
    return %arg0, %c0_i32 : i32, i32
  }
  func.func @transform_4(%arg0: i32) -> (i32, i32) {
    %c0_i32 = arith.constant 0 : i32
    %c0_i32_0 = arith.constant 0 : i32
    return %arg0, %c0_i32 : i32, i32
  }
}

</mosaic_0001>

<sc_bundles>
// kernel: kernel.5.cloned.1.call-start
scs
__scs_entry_jumppad:
0x0: {  	(pc) =	sbr.rel $0x88, $3  }
0x1: {  	(tag) =	ssettag $0x0;
	lr =	simm.s32 $0x1  }
0x2: {  	[smem:$0x3F9D] =	sst lr;
	_ =	strace $0xD0000000  }
0x3: {  	_ = 	snop  }
0x4: {  	_ = 	snop  }
0x5: {  	_ = 	snop  }
0x6: {  	_ = 	snop  }
0x7: {  	_ = 	snop  }
__scs_overlays_trampoline_lowered:
0x8: {  	[smem:$0x3FAC] =	sst s0  }
0x9: {  	[smem:$0x3FAD] =	sst s1  }
0xa: {  	[smem:$0x3FAE] =	sst s2  }
0xb: {  	[smem:$0x3FAF] =	sst s3  }
0xc: {  	[smem:$0x3FB0] =	sst s4  }
0xd: {  	[smem:$0x3FB1] =	sst s5  }
0xe: {  	[smem:$0x3FB2] =	sst s6  }
0xf: {  	[smem:$0x3FB3] =	sst s7  }
0x10: {  	[smem:$0x3FB4] =	sst s8  }
0x11: {  	[smem:$0x3FB5] =	sst s9;
	s0 =	simm.s32 @!p0 $0x0  }
0x12: {  	s1 =	sld [smem:$0x3F9B];
	s0 =	simm.s32 @p0 $0x1  }
0x13: {  	[smem:$0x3FB6] =	sst s0;
	s0 =	simm.s32 @!p1 $0x0  }
0x14: {  	s2 =	sld [smem:$0x3F9A];
	s0 =	simm.s32 @p1 $0x1  }
0x15: {  	[smem:$0x3FB7] =	sst s0;
	s0 =	simm.s32 @!p2 $0x0  }
0x16: {  	s3 =	sld [smem:$0x3FDB];
	s0 =	simm.s32 @p2 $0x1  }
0x17: {  	s4 =	simm.s32 $0x1BF5;
	[smem:$0x3FB9] =	sst s0  }
0x18: {  	s0 =	sld [smem:$0x3F9C];
	_ =	swait.ge [sflag:s4], $0x0  }
0x19: {  	s7 =	sld [smem:$0x3F9D]  }
0x1a: {  	s8 =	sadd.s32 $0xFFFFE003, lr  }
0x1b: {  	s9 =	sadd.s32 $0xFFFFFEF7, lr;
	s5 =	simm.s32 $0xFFFFFFFF;
	p2 =	slt.u32 s8, $0xFFFFF086  }
0x1c: {  	p1 =	slt.u32 s9, $0xF7A;
	s5 =	simm.s32 @!p2 $0x0  }
0x1d: {  	s5 =	simm.s32 @p1 $0x1;
	p0 =	seq.s32 s7, s2  }
0x1e: {  	s7 =	smul.u32 @!p0 $0xF7A, s2;
	p2 =	seq.s32 @!p0 s5, $0x0  }
0x1f: {  	s9 =	smul.u32 $0xF7A, s1;
	s8 =	simm.s32 @!p0 $0x1BF5;
	p2 =	por !p2, p0  }
0x20: {  	[sflag:s8] =	ssyncset.s32 @!p0 $0xFFFFF086;
	s6 =	sadd.s32 @!p0 s3, s7;
	s7 =	simm.s32 @!p0 $0x108  }
0x21: {  	s3 =	sadd.s32 s3, s9;
	s6 =	sadd.s32 @!p0 $0x88, s6;
	s7 =	simm.s32 @p2 $0x1082  }
0x22: {  	[simem:s7], [sflag:s8] =	dma.local @!p0 [hbm:s6], $0xF7A  }
0x23: {  	s9 =	sor.u32 $0xD0000000, s2;
	s6 =	simm.s32 $0x108;
	_ =	swait.ge @!p0 [sflag:s8], $0x0  }
0x24: {  	s3 =	sadd.s32 $0x88, s3;
	s6 =	simm.s32 @!p1 $0x1082;
	[sflag:s4] =	ssyncset.s32 $0xFFFFF086  }
0x25: {  	[simem:s6], [sflag:s4] =	dma.local [hbm:s3], $0xF7A  }
0x26: {  	[smem:$0x3F9D] =	sst s1;
	(tag) =	ssettag s2;
	_ =	strace s9  }
0x27: {  	s1 =	sld [smem:$0x3FAD]  }
0x28: {  	s2 =	sld [smem:$0x3FAE]  }
0x29: {  	s4 =	sld [smem:$0x3FB0]  }
0x2a: {  	p0 =	seq.s32 s5, $0x0;
	s5 =	sld [smem:$0x3FB1]  }
0x2b: {  	s6 =	sld [smem:$0x3FB2]  }
0x2c: {  	s7 =	sld [smem:$0x3FB3]  }
0x2d: {  	s3 =	simm.s32 $0x108;
	s8 =	sld [smem:$0x3FB4]  }
0x2e: {  	s3 =	simm.s32 @!p0 $0x1082;
	s9 =	sld [smem:$0x3FB5]  }
0x2f: {  	lr =	sadd.s32 s0, s3;
	s0 =	sld [smem:$0x3FAC]  }
0x30: {  	s3 =	sld [smem:$0x3FAF]  }
0x31: {  	[smem:$0x3FB8] =	sst s10  }
0x32: {  	s10 =	sld [smem:$0x3FB6];
	_ =	sdelay $0x3  }
0x33: {  	p0 =	seq.s32 s10, $0x1;
	s10 =	sld [smem:$0x3FB8];
	_ =	sdelay $0x3  }
0x34: {  	[smem:$0x3FB8] =	sst s10  }
0x35: {  	s10 =	sld [smem:$0x3FB7];
	_ =	sdelay $0x3  }
0x36: {  	p1 =	seq.s32 s10, $0x1;
	s10 =	sld [smem:$0x3FB8];
	_ =	sdelay $0x3  }
0x37: {  	[smem:$0x3FB8] =	sst s10  }
0x38: {  	s10 =	sld [smem:$0x3FB9]  }
0x39: {  	_ = 	snop;
	(pc) =	sbr.ind lr, $3  }
0x3a: {  	_ = 	snop  }
0x3b: {  	_ = 	snop  }
0x3c: {  	p2 =	seq.s32 s10, $0x1;
	s10 =	sld [smem:$0x3FB8]  }
0x3d: {  	_ =	shalt  }
0x3e: {  	_ =	shalt  }
0x3f: {  	_ =	shalt  }
0x40: {  	_ =	shalt  }
0x41: {  	_ =	shalt  }
0x42: {  	_ =	shalt  }
0x43: {  	_ =	shalt  }
0x44: {  	_ =	shalt  }
0x45: {  	_ =	shalt  }
0x46: {  	_ =	shalt  }
0x47: {  	_ =	shalt  }
0x48: {  	_ =	shalt  }
0x49: {  	_ =	shalt  }
0x4a: {  	_ =	shalt  }
0x4b: {  	_ =	shalt  }
0x4c: {  	_ =	shalt  }
0x4d: {  	_ =	shalt  }
0x4e: {  	_ =	shalt  }
0x4f: {  	_ =	shalt  }
0x50: {  	_ =	shalt  }
0x51: {  	_ =	shalt  }
0x52: {  	_ =	shalt  }
0x53: {  	_ =	shalt  }
0x54: {  	_ =	shalt  }
0x55: {  	_ =	shalt  }
0x56: {  	_ =	shalt  }
0x57: {  	_ =	shalt  }
0x58: {  	_ =	shalt  }
0x59: {  	_ =	shalt  }
0x5a: {  	_ =	shalt  }
0x5b: {  	_ =	shalt  }
0x5c: {  	_ =	shalt  }
0x5d: {  	_ =	shalt  }
0x5e: {  	_ =	shalt  }
0x5f: {  	_ =	shalt  }
0x60: {  	_ =	shalt  }
0x61: {  	_ =	shalt  }
0x62: {  	_ =	shalt  }
0x63: {  	_ =	shalt  }
0x64: {  	_ =	shalt  }
0x65: {  	_ =	shalt  }
0x66: {  	_ =	shalt  }
0x67: {  	_ =	shalt  }
0x68: {  	_ =	shalt  }
0x69: {  	_ =	shalt  }
0x6a: {  	_ =	shalt  }
0x6b: {  	_ =	shalt  }
0x6c: {  	_ =	shalt  }
0x6d: {  	_ =	shalt  }
0x6e: {  	_ =	shalt  }
0x6f: {  	_ =	shalt  }
0x70: {  	_ =	shalt  }
0x71: {  	_ =	shalt  }
0x72: {  	_ =	shalt  }
0x73: {  	_ =	shalt  }
0x74: {  	_ =	shalt  }
0x75: {  	_ =	shalt  }
0x76: {  	_ =	shalt  }
0x77: {  	_ =	shalt  }
0x78: {  	_ =	shalt  }
0x79: {  	_ =	shalt  }
0x7a: {  	_ =	shalt  }
0x7b: {  	_ =	shalt  }
0x7c: {  	_ =	shalt  }
0x7d: {  	_ =	shalt  }
0x7e: {  	_ =	shalt  }
0x7f: {  	_ =	shalt  }
0x80: {  	_ =	shalt  }
0x81: {  	_ =	shalt  }
0x82: {  	_ =	shalt  }
0x83: {  	_ =	shalt  }
0x84: {  	_ =	shalt  }
0x85: {  	_ =	shalt  }
0x86: {  	_ =	shalt  }
0x87: {  	_ =	shalt  }
.Lfunc_end0:
.L_simem_size_0:
called_computation_lowered:
.L_overlay_start_0:
0x88: {  	s2 =	sld [smem:$0x3FD9]  }
0x89: {  	s3 =	sld [smem:$0x3FFE];
	_ =	sdelay $0x1  }
0x8a: {  	s1 =	srdreg.scid  }
0x8b: {  	s0 =	sand.u32 $0x1, s1  }
0x8c: {  	s17 =	sshll.u32 s0, $0xA;
	s2 =	sadd.s32 s3, s2  }
0x8d: {  	s2 =	sadd.s32 s2, s17  }
0x8e: {  	[smem:$0x3FC4] =	sst s2  }
0x8f: {  	_ = 	snop  }
0x90: {  	s2 =	sld [smem:$0x3FC8]  }
0x91: {  	s18 =	sld [smem:$0x3FD0];
	(tm) =	ssettm $0x1  }
0x92: {  	s4 =	sld [smem:$0x3FFB];
	_ =	sdelay $0x3  }
0x93: {  	_ =	strace s4  }
0x94: {  	s4 =	sld [smem:$0x3FFC];
	_ =	sdelay $0x3  }
0x95: {  	_ =	strace s4  }
0x96: {  	s4 =	sld [smem:$0x3FFD];
	_ =	sdelay $0x3  }
0x97: {  	_ =	strace s4  }
0x98: {  	_ =	strace $0x8FFFFFFF  }
0x99: {  	s19 =	sld [smem:$0x3FDB];
	_ =	sdelay $0x1  }
0x9a: {  	s5 =	simm.s32 $_scs_section_size  }
0x9b: {  	s6 =	simm.s32 $_size__tile_overlayer_lowered;
	s7 =	simm.s32 $_tile_overlayer_lowered  }
0x9c: {  	s22 =	simm.s32 $0x1BFF;
	s21 =	sshll.u32 s7, $0x1;
	s4 =	sadd.s32 s5, s19  }
0x9d: {  	s8 =	simm.s32 $0x0;
	s20 =	sshll.u32 s6, $0x1;
	s6 =	sadd.s32 s21, s4  }
0x9e: {  	[timem:s8], [sflag:s22] =	dma.local [hbm:s6], s20  }
0x9f: {  	_ =	swait.ge [sflag:s22], s20  }
0xa0: {  	s5 =	ssub.s32 $0x0, s20;
	[sflag:s22] =	ssyncset.done $0x0  }
0xa1: {  	[sflag:s22] =	ssyncadd.s32 s5;
	_ =	sdelay $0x1  }
0xa2: {  	s23 =	simm.s32 $0x1B8B  }
0xa3: {  	_ =	swait.ge [sflag:s23], $0x1  }
0xa4: {  	[sflag:s23] =	ssyncset.done $0x0  }
0xa5: {  	s25 =	simm.s32 $0x1B8E;
	s24 =	sld [smem:$0x3FFE];
	[sflag:s23] =	ssyncadd.s32 $0xFFFFFFFF  }
0xa6: {  	s26 =	simm.s32 $execute0_lowered;
	[smem:$0x3FD2] =	sst s25  }
0xa7: {  	s6 =	sshll.u32 s26, $0x1;
	_ =	strace $0x80000046;
	[dreg:$0x1] =	wrdreg $0xFFFFFFFF  }
0xa8: {  	s28 =	simm.s32 $_size_execute0_lowered;
	s4 =	sadd.s32 s4, s6;
	[dreg:$0x0] =	wrdreg $0x0  }
0xa9: {  	s6 =	sshll.u32 s28, $0x1;
	[dreg:$0x2] =	wrdreg s4  }
0xaa: {  	[dreg:$0x3] =	wrdreg s6  }
0xab: {  	[dreg:$0x4] =	wrdreg $0xC0  }
0xac: {  	_ =	task [dreg:s8], $0x5FFFF  }
0xad: {  	[dreg:$0x1] =	wrdreg $0xFFFFFFFF  }
0xae: {  	[dreg:$0x0] =	wrdreg $0x60  }
0xaf: {  	[dreg:$0x2] =	wrdreg s24  }
0xb0: {  	[dreg:$0x3] =	wrdreg s18  }
0xb1: {  	[dreg:$0x4] =	wrdreg s2  }
0xb2: {  	[dreg:$0x5] =	wrdreg $0x0  }
0xb3: {  	[dreg:$0x6] =	wrdreg $0x140000  }
0xb4: {  	[dreg:$0x7] =	wrdreg $0x9  }
0xb5: {  	_ =	task.clear_ibuf [dreg:s8], $0x8FFFF;
	_ =	strace $0x90000046  }
0xb6: {  	s29 =	simm.s32 $0x9;
	_ =	strace $0x80000048  }
0xb7: {  	_ =	swait.ge [sflag:s29], $0x1  }
0xb8: {  	[sflag:s29] =	ssyncadd.s32 $0xFFFFFFFF  }
0xb9: {  	_ =	strace $0x90000048  }
0xba: {  	_ =	sfence  }
0xbb: {  	s30 =	sld [smem:$0x0];
	_ =	sdelay $0x2  }
0xbc: {  	s31 =	sshll.u32 s1, $0xD;
	s1 =	sshrl.u32 s1, $0x2  }
0xbd: {  	s3 =	sand.u32 $0x4000, s31;
	s1 =	sadd.s32 s1, s30  }
0xbe: {  	s0 =	sor.u32 s3, s0;
	s1 =	sshll.u32 s1, $0x11  }
0xbf: {  	s0 =	sor.u32 s1, s0  }
0xc0: {  	s0 =	sadd.s32 $0x8F2B, s0  }
0xc1: {  	[sflag:s0] =	ssyncadd.remote.s32 $0x1  }
0xc2: {  	_ =	sfence.sel $0xFFFF  }
0xc3: {  	[dreg:$0x0] =	wrdreg $0xFFFFFFFF;
	(pc) =	sbr.abs _section_cstart, $3  }
0xc4: {  	[dreg:$0x1] =	wrdreg $0xFFFFFFFF  }
0xc5: {  	_ =	task.clear_ibuf [dreg:s8], $0x2FFFF;
	_ =	strace $0x9FFFFFFF  }
0xc6: {  	(tm) =	ssettm $0x7FFFFFFF  }
0xc7: {  	_ =	shalt  }
tec
execute0_lowered:
.L_overlay_start_1:
0x0: {  	(tag) =	ssettag $0x1  }
0x1: {  	s0 =	rddreg [dreg:$0x0]  }
0x2: {  	s1 =	rddreg [dreg:$0x1]  }
0x3: {  	s3 =	srdreg.scid;
	s16 =	stileid.u32  }
0x4: {  	s2 =	rddreg [dreg:$0x2];
	s8 =	smul.u32 $0x14000, s16  }
0x5: {  	s4 =	rddreg [dreg:$0x3];
	s10 =	smul.u32 $0x280, s16  }
0x6: {  	s5 =	rddreg [dreg:$0x4];
	s3 =	sand.u32 $0x1, s3;
	s11 =	smul.u32 $0x50000, s16  }
0x7: {  	s6 =	simm.s32 $0x0;
	s29 =	simm.s32 $0x14280;
	s7 =	smul.u32 $0x140000, s3  }
0x8: {  	s30 =	simm.s32 $0xB;
	[smem:$0x7FF] =	sst s6;
	s9 =	smul.u32 $0x2800, s3  }
0x9: {  	s31 =	simm.s32 $0x19380;
	_ =	strace $0x80000047;
	s21 =	smul.u32 $0x27100, s3  }
0xa: {  	s24 =	ssub.s32 $0x2, s3;
	s26 =	sshll.u32 s3, $0x4;
	s3 =	smul.u32 $0x271000, s3  }
0xb: {  	s11 =	sshrl.u32 s11, $0x2;
	s13 =	sshrl.u32 s24, $0x1;
	s14 =	sor.u32 s16, s26  }
0xc: {  	s28 =	sadd.s32 s10, s5;
	s7 =	sadd.s32 s8, s7;
	s22 =	sadd.s32 s10, s9  }
0xd: {  	s25 =	sadd.s32 s11, s4;
	s11 =	ssub.s32 s24, s13;
	s9 =	smul.u32 $0x2710, s14  }
0xe: {  	s18 =	smul.u32 $0x27100, s14;
	s10 =	simm.s32 $0x2;
	[dreg:$0xd] =	wrdreg s28  }
0xf: {  	s23 =	sshrl.u32 s7, $0x3;
	s13 =	sadd.s32 $0x2800, s25;
	[dreg:$0x7] =	wrdreg s25  }
0x10: {  	s8 =	sshrl.u32 s22, $0x3;
	s15 =	sadd.s32 $0x5000, s25;
	[dreg:$0x8] =	wrdreg s13  }
0x11: {  	s7 =	sadd.s32 $0x4E2A00, s0;
	s17 =	sadd.s32 $0x7800, s25;
	[dreg:$0x9] =	wrdreg s15  }
0x12: {  	s19 =	sadd.s32 $0xA000, s25;
	s20 =	sadd.s32 $0xC800, s25;
	[dreg:$0xa] =	wrdreg s17  }
0x13: {  	s12 =	sadd.s32 s23, s0;
	s0 =	sadd.s32 s8, s0;
	[dreg:$0xb] =	wrdreg s19  }
0x14: {  	[dreg:$0xc] =	wrdreg s20;
	s22 =	sshrl.u32 s9, $0x3;
	s15 =	smul.u32 $0x2710, s16  }
0x15: {  	s26 =	sadd.s32 s7, s18;
	s8 =	smul.u32 $0x27100, s16;
	s3 =	sadd.s32 s3, s7  }
0x16: {  	s23 =	sadd.s32 s2, s22;
	s24 =	sadd.s32 s1, s22;
	[dreg:$0x10] =	wrdreg s26  }
0x17: {  	s0 =	sadd.s32 $0x50A00, s0;
	s22 =	smax.u32 s11, $0x1;
	[dreg:$0xe] =	wrdreg s23  }
0x18: {  	s26 =	sadd.s32 $0x11800, s25;
	s11 =	simm.s32 $0x3;
	[dreg:$0xf] =	wrdreg s24  }
0x19: {  	s14 =	sadd.s32 s15, s21;
	s15 =	sadd.s32 $0x50, s9;
	[dreg:$0x15] =	wrdreg s0  }
0x1a: {  	s3 =	sadd.s32 s8, s3;
	s21 =	sadd.s32 $0xA00, s12;
	[dreg:$0x16] =	wrdreg s22  }
0x1b: {  	s24 =	sadd.s32 $0xF000, s25;
	[dreg:$0x19] =	wrdreg s26;
	s0 =	simm.s32 $0x1  }
0x1c: {  	s12 =	simm.s32 $0x50;
	s22 =	simm.s32 $0x9;
	s13 =	sadd.s32 $0xA0, s14  }
0x1d: {  	s16 =	sshrl.u32 s15, $0x3;
	s19 =	sshll.u32 s15, $0x4;
	[dreg:$0x14] =	wrdreg s21  }
0x1e: {  	s23 =	sadd.s32 $0xA00, s3;
	[dreg:$0x18] =	wrdreg s24;
	s3 =	simm.s32 $0x19280  }
0x1f: {  	s14 =	simm.s32 $0x19400;
	s21 =	simm.s32 $0x8;
	[dreg:$0x6] =	wrdreg s13  }
0x20: {  	s24 =	simm.s32 $0x0;
	s17 =	sadd.s32 s2, s16;
	[dreg:$0x17] =	wrdreg s23  }
0x21: {  	s18 =	sadd.s32 s1, s16;
	s20 =	sadd.s32 s7, s19;
	[dreg:$0x11] =	wrdreg s17  }
0x22: {  	s13 =	simm.s32 $0x19300;
	s16 =	simm.s32 $0x16A80;
	[dreg:$0x12] =	wrdreg s18  }
0x23: {  	s19 =	simm.s32 $0x6;
	s23 =	simm.s32 $0xA;
	[dreg:$0x13] =	wrdreg s20  }
0x24: {  	v0 =	vimm.f32 $0.0e+00;
	s17 =	simm.s32 $0x4;
	s18 =	simm.s32 $0x5;
	s20 =	simm.s32 $0x7  }
.LBB2_1:
0x25: {  	s15 =	simm.s32 $0x0;
	s26 =	simm.s32 $0x200  }
.LBB2_2:
0x26: {  	p0 =	sne.s32 s26, $0x9E00;
	[tilespmem:s15+$0x142F0] =	vst v0  }
0x27: {  	[tilespmem:s15+$0x14280] =	vst v0  }
0x28: {  	[tilespmem:s15+$0x14290] =	vst v0  }
.Ltmp0:
0x29: {  	[tilespmem:s15+$0x142A0] =	vst v0;
	(pc) =	sbr.rel @p0 .LBB2_2-.Ltmp0, $4  }
0x2a: {  	[tilespmem:s15+$0x142B0] =	vst v0  }
0x2b: {  	[tilespmem:s15+$0x142C0] =	vst v0  }
0x2c: {  	[tilespmem:s15+$0x142D0] =	vst v0  }
0x2d: {  	[tilespmem:s15+$0x142E0] =	vst v0;
	s15 =	sshra.s32 s26, $0x2;
	s26 =	sadd.s32 $0x200, s26  }
0x2e: {  	[tilespmem:s15+$0x142F0] =	vst v0  }
0x2f: {  	[tilespmem:s15+$0x14280] =	vst v0  }
0x30: {  	[tilespmem:s15+$0x14290] =	vst v0  }
0x31: {  	[tilespmem:s15+$0x142A0] =	vst v0  }
0x32: {  	[tilespmem:s15+$0x142B0] =	vst v0  }
0x33: {  	[tilespmem:s15+$0x142C0] =	vst v0  }
0x34: {  	[tilespmem:s15+$0x142D0] =	vst v0  }
0x35: {  	[tilespmem:s15+$0x142E0] =	vst v0  }
0x36: {  	[tilespmem:$0x19480] =	vst v0  }
0x37: {  	[tilespmem:$0x19490] =	vst v0  }
0x38: {  	[tilespmem:$0x194A0] =	vst v0  }
0x39: {  	[tilespmem:$0x194B0] =	vst v0  }
0x3a: {  	[tilespmem:$0x194C0] =	vst v0  }
0x3b: {  	[tilespmem:$0x194D0] =	vst v0  }
0x3c: {  	[tilespmem:$0x194E0] =	vst v0  }
0x3d: {  	[tilespmem:$0x194F0] =	vst v0  }
0x3e: {  	[tilespmem:$0x19500] =	vst v0  }
0x3f: {  	[tilespmem:$0x19510] =	vst v0  }
0x40: {  	[tilespmem:$0x19520] =	vst v0  }
0x41: {  	[tilespmem:$0x19530] =	vst v0  }
0x42: {  	[tilespmem:$0x19540] =	vst v0  }
0x43: {  	[tilespmem:$0x19550] =	vst v0  }
0x44: {  	[tilespmem:$0x19560] =	vst v0  }
0x45: {  	[tilespmem:$0x19570] =	vst v0  }
0x46: {  	[tilespmem:$0x19580] =	vst v0  }
0x47: {  	[tilespmem:$0x19590] =	vst v0  }
0x48: {  	[tilespmem:$0x195A0] =	vst v0  }
0x49: {  	[tilespmem:$0x195B0] =	vst v0  }
0x4a: {  	[tilespmem:$0x195C0] =	vst v0  }
0x4b: {  	[tilespmem:$0x195D0] =	vst v0  }
0x4c: {  	[tilespmem:$0x195E0] =	vst v0  }
0x4d: {  	[tilespmem:$0x195F0] =	vst v0  }
0x4e: {  	[tilespmem:$0x19600] =	vst v0  }
0x4f: {  	[tilespmem:$0x19610] =	vst v0  }
0x50: {  	[tilespmem:$0x19620] =	vst v0  }
0x51: {  	[tilespmem:$0x19630] =	vst v0  }
0x52: {  	[tilespmem:$0x19640] =	vst v0  }
0x53: {  	[tilespmem:$0x19650] =	vst v0  }
0x54: {  	[tilespmem:$0x19660] =	vst v0  }
0x55: {  	[tilespmem:$0x19670] =	vst v0  }
0x56: {  	[tilespmem:$0x19680] =	vst v0  }
0x57: {  	[tilespmem:$0x19690] =	vst v0  }
0x58: {  	[tilespmem:$0x196A0] =	vst v0  }
0x59: {  	[tilespmem:$0x196B0] =	vst v0  }
0x5a: {  	[tilespmem:$0x196C0] =	vst v0  }
0x5b: {  	[tilespmem:$0x196D0] =	vst v0  }
0x5c: {  	[tilespmem:$0x196E0] =	vst v0  }
0x5d: {  	[tilespmem:$0x196F0] =	vst v0  }
0x5e: {  	[spmem:s25] =	stream.linear.scatter [tilespmem:s29], [sflag:$0xB], $0x2800, $0x38;
	[tilespmem:$0x19700] =	vst v63  }
0x5f: {  	_ =	swait.ge [sflag:s30], $0x2800  }
0x60: {  	[sflag:s30] =	ssyncset.done $0x0  }
0x61: {  	s8 =	rddreg [dreg:$0x8];
	[sflag:s30] =	ssyncadd.s32 $0xFFFFD800  }
0x62: {  	[spmem:s8] =	stream.linear.scatter [tilespmem:s29], [sflag:$0xB], $0x2800, $0x38;
	[tilespmem:$0x19700] =	vst v63  }
0x63: {  	_ =	swait.ge [sflag:s30], $0x2800  }
0x64: {  	[sflag:s30] =	ssyncset.done $0x0  }
0x65: {  	s15 =	rddreg [dreg:$0x9];
	[sflag:s30] =	ssyncadd.s32 $0xFFFFD800  }
0x66: {  	[spmem:s15] =	stream.linear.scatter [tilespmem:s29], [sflag:$0xB], $0x2800, $0x38;
	[tilespmem:$0x19700] =	vst v63  }
0x67: {  	_ =	swait.ge [sflag:s30], $0x2800  }
0x68: {  	[sflag:s30] =	ssyncset.done $0x0  }
0x69: {  	s25 =	rddreg [dreg:$0xa];
	[sflag:s30] =	ssyncadd.s32 $0xFFFFD800  }
0x6a: {  	[spmem:s25] =	stream.linear.scatter [tilespmem:s29], [sflag:$0xB], $0x2800, $0x38;
	[tilespmem:$0x19700] =	vst v63  }
0x6b: {  	_ =	swait.ge [sflag:s30], $0x2800  }
0x6c: {  	[sflag:s30] =	ssyncset.done $0x0  }
0x6d: {  	s26 =	rddreg [dreg:$0xb];
	[sflag:s30] =	ssyncadd.s32 $0xFFFFD800  }
0x6e: {  	[spmem:s26] =	stream.linear.scatter [tilespmem:s29], [sflag:$0xB], $0x2800, $0x38;
	[tilespmem:$0x19700] =	vst v63  }
0x6f: {  	_ =	swait.ge [sflag:s30], $0x2800  }
0x70: {  	[sflag:s30] =	ssyncset.done $0x0  }
0x71: {  	s15 =	rddreg [dreg:$0xc];
	[sflag:s30] =	ssyncadd.s32 $0xFFFFD800  }
0x72: {  	[spmem:s15] =	stream.linear.scatter [tilespmem:s29], [sflag:$0xB], $0x2800, $0x38;
	[tilespmem:$0x19700] =	vst v63  }
0x73: {  	_ =	swait.ge [sflag:s30], $0x2800  }
0x74: {  	[sflag:s30] =	ssyncset.done $0x0  }
0x75: {  	s25 =	rddreg [dreg:$0x18];
	[sflag:s30] =	ssyncadd.s32 $0xFFFFD800  }
0x76: {  	[spmem:s25] =	stream.linear.scatter [tilespmem:s29], [sflag:$0xB], $0x2800, $0x38;
	[tilespmem:$0x19700] =	vst v63  }
0x77: {  	_ =	swait.ge [sflag:s30], $0x2800  }
0x78: {  	[sflag:s30] =	ssyncset.done $0x0  }
0x79: {  	s26 =	rddreg [dreg:$0x19];
	[sflag:s30] =	ssyncadd.s32 $0xFFFFD800  }
0x7a: {  	[spmem:s26] =	stream.linear.scatter [tilespmem:s29], [sflag:$0xB], $0x2800, $0x38;
	[tilespmem:$0x19700] =	vst v63  }
0x7b: {  	_ =	swait.ge [sflag:s30], $0x2800  }
0x7c: {  	[sflag:s30] =	ssyncset.done $0x0  }
0x7d: {  	s15 =	simm.s32 $0x19480;
	[sflag:s30] =	ssyncadd.s32 $0xFFFFD800  }
0x7e: {  	[spmem:s28] =	stream.linear.scatter [tilespmem:s15], [sflag:$0xB], $0x280, $0x38;
	[tilespmem:$0x19700] =	vst v63  }
0x7f: {  	_ =	swait.ge [sflag:s30], $0x280  }
0x80: {  	[sflag:s30] =	ssyncset.done $0x0  }
0x81: {  	[sflag:s30] =	ssyncadd.s32 $0xFFFFFD80  }
0x82: {  	[bflag:$0x0] =	sbarrier.arrive $0xFFFF  }
0x83: {  	s15 =	simm.s32 $0x0;
	s25 =	rddreg [dreg:$0xe]  }
0x84: {  	[tilespmem:s3], [sflag:$0x1] =	stream.linear.gather [hbm4b:s25+s15], $0x50, $0x38;
	[tilespmem:$0x19700] =	vst v63  }
0x85: {  	s26 =	rddreg [dreg:$0xf]  }
0x86: {  	[tilespmem:s31], [sflag:$0x2] =	stream.linear.gather [hbm4b:s26+s15], $0x50, $0x38;
	[tilespmem:$0x19700] =	vst v63  }
0x87: {  	s25 =	rddreg [dreg:$0x10]  }
0x88: {  	[tilespmem:s29], [sflag:$0x3] =	stream.linear.gather [hbm4b:s25+s15], $0x2800, $0x38;
	[tilespmem:$0x19700] =	vst v63  }
0x89: {  	_ =	swait.ge [sflag:s0], $0x50  }
0x8a: {  	[sflag:s0] =	ssyncset.done $0x0  }
0x8b: {  	[sflag:s0] =	ssyncadd.s32 $0xFFFFFFB0  }
0x8c: {  	_ =	swait.ge [sflag:s10], $0x50  }
0x8d: {  	[sflag:s10] =	ssyncset.done $0x0  }
0x8e: {  	[sflag:s10] =	ssyncadd.s32 $0xFFFFFFB0  }
0x8f: {  	_ =	swait.ge [sflag:s11], $0x2800  }
0x90: {  	[sflag:s11] =	ssyncset.done $0x0  }
0x91: {  	[sflag:s11] =	ssyncadd.s32 $0xFFFFD800  }
0x92: {  	[spmem:s4] =	stream.indirect.scatter.add.f32 [tilespmem:s29], [sflag:$0x7], $0x80, s3, s12, $0xb8;
	[tilespmem:$0x19700] =	vst v63  }
0x93: {  	_ = 	snop  }
0x94: {  	[spmem:s5] =	stream.indirect.scatter.add.f32 [tilespmem:s31], [sflag:$0x8], $0x1, s3, s12, $0xb8;
	[tilespmem:$0x19700] =	vst v63  }
0x95: {  	s26 =	rddreg [dreg:$0x11]  }
0x96: {  	[tilespmem:s13], [sflag:$0x4] =	stream.linear.gather [hbm4b:s26+s15], $0x50, $0x38;
	[tilespmem:$0x19700] =	vst v63  }
0x97: {  	s25 =	rddreg [dreg:$0x12]  }
0x98: {  	[tilespmem:s14], [sflag:$0x5] =	stream.linear.gather [hbm4b:s25+s15], $0x50, $0x38;
	[tilespmem:$0x19700] =	vst v63  }
0x99: {  	s26 =	rddreg [dreg:$0x13]  }
0x9a: {  	[tilespmem:s16], [sflag:$0x6] =	stream.linear.gather [hbm4b:s26+s15], $0x2800, $0x38;
	[tilespmem:$0x19700] =	vst v63  }
0x9b: {  	_ =	swait.ge [sflag:s17], $0x50  }
0x9c: {  	[sflag:s17] =	ssyncset.done $0x0  }
0x9d: {  	[sflag:s17] =	ssyncadd.s32 $0xFFFFFFB0  }
0x9e: {  	_ =	swait.ge [sflag:s18], $0x50  }
0x9f: {  	[sflag:s18] =	ssyncset.done $0x0  }
0xa0: {  	[sflag:s18] =	ssyncadd.s32 $0xFFFFFFB0  }
0xa1: {  	_ =	swait.ge [sflag:s19], $0x2800  }
0xa2: {  	[sflag:s19] =	ssyncset.done $0x0  }
0xa3: {  	[sflag:s19] =	ssyncadd.s32 $0xFFFFD800  }
0xa4: {  	[spmem:s4] =	stream.indirect.scatter.add.f32 [tilespmem:s16], [sflag:$0x9], $0x80, s13, s12, $0xb8;
	[tilespmem:$0x19700] =	vst v63  }
0xa5: {  	_ = 	snop  }
0xa6: {  	[spmem:s5] =	stream.indirect.scatter.add.f32 [tilespmem:s14], [sflag:$0xA], $0x1, s13, s12, $0xb8;
	[tilespmem:$0x19700] =	vst v63  }
0xa7: {  	_ =	swait.ge [sflag:s20], $0x2800  }
0xa8: {  	[sflag:s20] =	ssyncset.done $0x0  }
0xa9: {  	[sflag:s20] =	ssyncadd.s32 $0xFFFFD800  }
0xaa: {  	_ =	swait.ge [sflag:s21], $0x50  }
0xab: {  	s8 =	rddreg [dreg:$0x6]  }
0xac: {  	s15 =	sadd.s32 $0x0, s8  }
0xad: {  	[sflag:s21] =	ssyncset.done $0x0;
	s15 =	sshrl.u32 s15, $0x3  }
0xae: {  	[sflag:s21] =	ssyncadd.s32 $0xFFFFFFB0;
	s26 =	sadd.s32 s2, s15  }
0xaf: {  	[tilespmem:s3], [sflag:$0x1] =	stream.linear.gather [hbm4b:s26+s6], $0x50, $0x38;
	[tilespmem:$0x19700] =	vst v63  }
0xb0: {  	s15 =	sadd.s32 s1, s15  }
0xb1: {  	[tilespmem:s31], [sflag:$0x2] =	stream.linear.gather [hbm4b:s15+s6], $0x50, $0x38;
	[tilespmem:$0x19700] =	vst v63  }
0xb2: {  	s8 =	rddreg [dreg:$0x17]  }
0xb3: {  	[tilespmem:s29], [sflag:$0x3] =	stream.linear.gather [hbm4b:s8+s6], $0x2800, $0x38;
	[tilespmem:$0x19700] =	vst v63  }
0xb4: {  	_ =	swait.ge [sflag:s0], $0x50  }
0xb5: {  	[sflag:s0] =	ssyncset.done $0x0  }
0xb6: {  	[sflag:s0] =	ssyncadd.s32 $0xFFFFFFB0  }
0xb7: {  	_ =	swait.ge [sflag:s10], $0x50  }
0xb8: {  	[sflag:s10] =	ssyncset.done $0x0  }
0xb9: {  	[sflag:s10] =	ssyncadd.s32 $0xFFFFFFB0  }
0xba: {  	_ =	swait.ge [sflag:s11], $0x2800  }
0xbb: {  	[sflag:s11] =	ssyncset.done $0x0  }
0xbc: {  	[sflag:s11] =	ssyncadd.s32 $0xFFFFD800  }
0xbd: {  	[spmem:s4] =	stream.indirect.scatter.add.f32 [tilespmem:s29], [sflag:$0x7], $0x80, s3, s12, $0xb8;
	[tilespmem:$0x19700] =	vst v63  }
0xbe: {  	_ = 	snop  }
0xbf: {  	[spmem:s5] =	stream.indirect.scatter.add.f32 [tilespmem:s31], [sflag:$0x8], $0x1, s3, s12, $0xb8;
	[tilespmem:$0x19700] =	vst v63  }
0xc0: {  	_ =	swait.ge [sflag:s22], $0x2800  }
0xc1: {  	p0 =	por $0x0, $0x0;
	s15 =	simm.s32 $0xF0;
	[sflag:s22] =	ssyncset.done $0x0  }
0xc2: {  	s15 =	simm.s32 @p0 $0x0;
	[sflag:s22] =	ssyncadd.s32 $0xFFFFD800  }
0xc3: {  	s15 =	sadd.s32 s9, s15;
	_ =	swait.ge [sflag:s23], $0x50  }
0xc4: {  	s25 =	sshrl.u32 s15, $0x3;
	[sflag:s23] =	ssyncset.done $0x0  }
0xc5: {  	s28 =	sadd.s32 s2, s25;
	[sflag:s23] =	ssyncadd.s32 $0xFFFFFFB0  }
0xc6: {  	[tilespmem:s13], [sflag:$0x4] =	stream.linear.gather [hbm4b:s28+s6], $0x50, $0x38;
	[tilespmem:$0x19700] =	vst v63  }
0xc7: {  	s15 =	sshll.u32 s15, $0x4;
	s26 =	sadd.s32 s1, s25  }
0xc8: {  	[tilespmem:s14], [sflag:$0x5] =	stream.linear.gather [hbm4b:s26+s6], $0x50, $0x38;
	[tilespmem:$0x19700] =	vst v63  }
0xc9: {  	s15 =	sadd.s32 s7, s15;
	s28 =	sadd.s32 $0xA00, s8;
	s26 =	simm.s32 $0xA0  }
.LBB2_4:
0xca: {  	[tilespmem:s16], [sflag:$0x6] =	stream.linear.gather [hbm4b:s15+s6], $0x2800, $0x38;
	[tilespmem:$0x19700] =	vst v63  }
0xcb: {  	_ =	swait.ge [sflag:s17], $0x50  }
0xcc: {  	[sflag:s17] =	ssyncset.done $0x0  }
0xcd: {  	[sflag:s17] =	ssyncadd.s32 $0xFFFFFFB0  }
0xce: {  	_ =	swait.ge [sflag:s18], $0x50  }
0xcf: {  	[sflag:s18] =	ssyncset.done $0x0  }
0xd0: {  	[sflag:s18] =	ssyncadd.s32 $0xFFFFFFB0  }
0xd1: {  	_ =	swait.ge [sflag:s19], $0x2800  }
0xd2: {  	[sflag:s19] =	ssyncset.done $0x0  }
0xd3: {  	[sflag:s19] =	ssyncadd.s32 $0xFFFFD800  }
0xd4: {  	[spmem:s4] =	stream.indirect.scatter.add.f32 [tilespmem:s16], [sflag:$0x9], $0x80, s13, s12, $0xb8;
	[tilespmem:$0x19700] =	vst v63  }
0xd5: {  	_ = 	snop  }
0xd6: {  	[spmem:s5] =	stream.indirect.scatter.add.f32 [tilespmem:s14], [sflag:$0xA], $0x1, s13, s12, $0xb8;
	[tilespmem:$0x19700] =	vst v63  }
0xd7: {  	_ =	swait.ge [sflag:s20], $0x2800  }
0xd8: {  	[sflag:s20] =	ssyncset.done $0x0  }
0xd9: {  	[sflag:s20] =	ssyncadd.s32 $0xFFFFD800  }
0xda: {  	_ =	swait.ge [sflag:s21], $0x50  }
0xdb: {  	s15 =	smov.u32 s26;
	s25 =	rddreg [dreg:$0x6]  }
0xdc: {  	s25 =	sadd.s32 s15, s25  }
0xdd: {  	[sflag:s21] =	ssyncset.done $0x0;
	s25 =	sshrl.u32 s25, $0x3  }
0xde: {  	[sflag:s21] =	ssyncadd.s32 $0xFFFFFFB0;
	s8 =	sadd.s32 s2, s25  }
0xdf: {  	[tilespmem:s3], [sflag:$0x1] =	stream.linear.gather [hbm4b:s8+s6], $0x50, $0x38;
	[tilespmem:$0x19700] =	vst v63  }
0xe0: {  	s25 =	sadd.s32 s1, s25  }
0xe1: {  	[tilespmem:s31], [sflag:$0x2] =	stream.linear.gather [hbm4b:s25+s6], $0x50, $0x38;
	[tilespmem:$0x19700] =	vst v63  }
0xe2: {  	_ = 	snop  }
0xe3: {  	[tilespmem:s29], [sflag:$0x3] =	stream.linear.gather [hbm4b:s28+s6], $0x2800, $0x38;
	[tilespmem:$0x19700] =	vst v63  }
0xe4: {  	_ =	swait.ge [sflag:s0], $0x50  }
0xe5: {  	[sflag:s0] =	ssyncset.done $0x0  }
0xe6: {  	[sflag:s0] =	ssyncadd.s32 $0xFFFFFFB0  }
0xe7: {  	_ =	swait.ge [sflag:s10], $0x50  }
0xe8: {  	[sflag:s10] =	ssyncset.done $0x0  }
0xe9: {  	[sflag:s10] =	ssyncadd.s32 $0xFFFFFFB0  }
0xea: {  	_ =	swait.ge [sflag:s11], $0x2800  }
0xeb: {  	[sflag:s11] =	ssyncset.done $0x0  }
0xec: {  	[sflag:s11] =	ssyncadd.s32 $0xFFFFD800  }
0xed: {  	[spmem:s4] =	stream.indirect.scatter.add.f32 [tilespmem:s29], [sflag:$0x7], $0x80, s3, s12, $0xb8;
	[tilespmem:$0x19700] =	vst v63  }
0xee: {  	_ = 	snop  }
0xef: {  	[spmem:s5] =	stream.indirect.scatter.add.f32 [tilespmem:s31], [sflag:$0x8], $0x1, s3, s12, $0xb8;
	[tilespmem:$0x19700] =	vst v63  }
0xf0: {  	_ =	swait.ge [sflag:s22], $0x2800  }
0xf1: {  	p1 =	seq.s32 s15, $0x2620;
	s8 =	sadd.s32 $0xF0, s15;
	[sflag:s22] =	ssyncset.done $0x0  }
0xf2: {  	s8 =	simm.s32 @p1 $0x0;
	[sflag:s22] =	ssyncadd.s32 $0xFFFFD800  }
0xf3: {  	s8 =	sadd.s32 s9, s8;
	_ =	swait.ge [sflag:s23], $0x50  }
0xf4: {  	p0 =	sne.s32 s26, $0x2620;
	s15 =	sshrl.u32 s8, $0x3;
	[sflag:s23] =	ssyncset.done $0x0  }
.Ltmp1:
0xf5: {  	s25 =	sadd.s32 s2, s15;
	[sflag:s23] =	ssyncadd.s32 $0xFFFFFFB0;
	(pc) =	sbr.rel @p0 .LBB2_4-.Ltmp1, $4  }
0xf6: {  	[tilespmem:s13], [sflag:$0x4] =	stream.linear.gather [hbm4b:s25+s6], $0x50, $0x38;
	[tilespmem:$0x19700] =	vst v63  }
0xf7: {  	s8 =	sshll.u32 s8, $0x4;
	s15 =	sadd.s32 s1, s15  }
0xf8: {  	[tilespmem:s14], [sflag:$0x5] =	stream.linear.gather [hbm4b:s15+s6], $0x50, $0x38;
	[tilespmem:$0x19700] =	vst v63  }
0xf9: {  	s26 =	sadd.s32 $0xA0, s26;
	s28 =	sadd.s32 $0xA00, s28;
	s15 =	sadd.s32 s7, s8  }
0xfa: {  	[tilespmem:s16], [sflag:$0x6] =	stream.linear.gather [hbm4b:s15+s6], $0x2800, $0x38;
	[tilespmem:$0x19700] =	vst v63  }
0xfb: {  	_ =	swait.ge [sflag:s20], $0x2800  }
0xfc: {  	[sflag:s20] =	ssyncset.done $0x0  }
0xfd: {  	[sflag:s20] =	ssyncadd.s32 $0xFFFFD800  }
0xfe: {  	_ =	swait.ge [sflag:s21], $0x50  }
0xff: {  	[sflag:s21] =	ssyncset.done $0x0  }
0x100: {  	[sflag:s21] =	ssyncadd.s32 $0xFFFFFFB0  }
0x101: {  	_ =	swait.ge [sflag:s17], $0x50  }
0x102: {  	[sflag:s17] =	ssyncset.done $0x0  }
0x103: {  	[sflag:s17] =	ssyncadd.s32 $0xFFFFFFB0  }
0x104: {  	_ =	swait.ge [sflag:s18], $0x50  }
0x105: {  	[sflag:s18] =	ssyncset.done $0x0  }
0x106: {  	[sflag:s18] =	ssyncadd.s32 $0xFFFFFFB0  }
0x107: {  	_ =	swait.ge [sflag:s19], $0x2800  }
0x108: {  	[sflag:s19] =	ssyncset.done $0x0  }
0x109: {  	[sflag:s19] =	ssyncadd.s32 $0xFFFFD800  }
0x10a: {  	s8 =	stileid.u32;
	[bflag:$0x0] =	sbarrier.arrive $0xFFFF  }
0x10b: {  	s8 =	sshll.u32 s8, $0x6;
	s25 =	rddreg [dreg:$0x7]  }
0x10c: {  	s8 =	sor.u32 $0x1C0B, s8;
	s26 =	rddreg [dreg:$0x14];
	s15 =	sshrl.u32 s25, $0x3  }
0x10d: {  	[hbm:s26], [sflag:s8] =	dma.local [spmem:s15], $0x2800  }
0x10e: {  	_ =	swait.ge [sflag:s30], $0x2800  }
0x10f: {  	[sflag:s30] =	ssyncset.done $0x0;
	s28 =	rddreg [dreg:$0xd]  }
0x110: {  	s26 =	rddreg [dreg:$0x15];
	[sflag:s30] =	ssyncadd.s32 $0xFFFFD800;
	s15 =	sshrl.u32 s28, $0x3  }
0x111: {  	[hbm:s26], [sflag:s8] =	dma.local [spmem:s15], $0x50  }
0x112: {  	_ =	swait.ge [sflag:s30], $0x50  }
0x113: {  	s24 =	sadd.s32 $0x1, s24;
	s26 =	rddreg [dreg:$0x16]  }
0x114: {  	p0 =	sne.s32 s24, s26  }
.Ltmp2:
0x115: {  	_ = 	snop;
	(pc) =	sbr.rel @p0 .LBB2_1-.Ltmp2, $3  }
0x116: {  	_ =	sdelay $0x1  }
0x117: {  	[sflag:s30] =	ssyncset.done $0x0  }
0x118: {  	[sflag:s30] =	ssyncadd.s32 $0xFFFFFFB0  }
0x119: {  	_ =	sfence.sel $0x180000  }
0x11a: {  	[bflag:$0x0] =	sbarrier.arrive $0xFFFF  }
0x11b: {  	_ =	strace $0x90000047  }
0x11c: {  	s0 =	stileid.u32;
	[bflag:$0x2] =	sbarrier.arrive $0xFFFF  }
0x11d: {  	p0 =	sne.s32 s0, $0x0;
	s0 =	rddreg [dreg:$0x5]  }
0x11e: {  	s0 =	sadd.s32 @!p0 $0x100000, s0  }
0x11f: {  	[sflag:s0] =	ssyncadd.tile.s32 @!p0 $0x1;
	_ =	shalt  }
.Lfunc_end2:
_tile_overlayer_lowered:
.L_overlay_start_2:
0x120: {  	(tag) =	ssettag $0x2  }
0x121: {  	s0 =	rddreg [dreg:$0x0];
	s2 =	stileid.u32  }
0x122: {  	s1 =	rddreg [dreg:$0x1];
	p0 =	sne.s32 s2, $0x0  }
0x123: {  	s3 =	rddreg [dreg:$0x2];
	[bflag:$0x3] =	sbarrier.arrive $0xFFFF;
	s2 =	simm.s32 @!p0 $0x1C0B  }
0x124: {  	[timem:s3], [sflag:s2] =	dma.local @!p0 [hbm:s0], s1  }
0x125: {  	s0 =	simm.s32 @!p0 $0xB  }
0x126: {  	_ =	swait.ge @!p0 [sflag:s0], s1  }
0x127: {  	s1 =	ssub.s32 @!p0 $0x0, s1;
	[sflag:s0] =	ssyncset.done @!p0 $0x0  }
0x128: {  	[sflag:s0] =	ssyncadd.s32 @!p0 s1  }
0x129: {  	[bflag:$0x3] =	sbarrier.arrive $0xFFFF  }
0x12a: {  	_ =	shalt  }

</sc_bundles>
